<compile_context>
chip_gen: v7x
topology: tpu7x:2x2x1
jax: 0.10.2.dev20260603
libtpu: 0.0.44.dev20260713+nightly
codegen_flags: <defaults>
</compile_context>

<pallas_src>
import functools

import jax
import jax.numpy as jnp
from jax import lax
from jax.experimental import pallas as pl
from jax.experimental.pallas import tpu as pltpu
from jax.experimental.pallas import tpu_sc as plsc

N = 10000
E = 320000
D = 128

NC = 2
NS = 16
COLS = D // NC
GROUP = 128
GPT = 160
E_PAD = NS * GPT * GROUP
NBUF = 5
SROWS_PER_TILE = N // NS
SCHUNK = 125
NCHUNK = GPT // NBUF
NPAD = 10240
ROWS_PER_TILE = NPAD // NS
WCOPIES = ROWS_PER_TILE // GROUP


def _mlp(x, W1, b1, Wg):
    def body(x_ref, w1_ref, b1_ref, wg_ref, o_ref):
        h = jnp.dot(x_ref[...], w1_ref[...], preferred_element_type=jnp.float32)
        h = jnp.maximum(h + b1_ref[...], 0.0)
        o_ref[...] = jnp.dot(h, wg_ref[...], preferred_element_type=jnp.float32)

    BM = 1000
    out = pl.pallas_call(
        body,
        grid=(N // BM,),
        in_specs=[
            pl.BlockSpec((BM, D), lambda i: (i, 0)),
            pl.BlockSpec((D, D), lambda i: (0, 0)),
            pl.BlockSpec((1, D), lambda i: (0, 0)),
            pl.BlockSpec((D, D), lambda i: (0, 0)),
        ],
        out_specs=pl.BlockSpec((BM, D), lambda i: (i, 0)),
        out_shape=jax.ShapeDtypeStruct((N, D), jnp.float32),
    )(x, W1, b1.reshape(1, D), Wg)
    return out.reshape(N, NC, COLS).transpose(1, 0, 2)


def _sc_scatter(support2, src2d, dst2d, bg2):
    mesh = plsc.VectorSubcoreMesh(core_axis_name="c", subcore_axis_name="s")

    @functools.partial(
        pl.kernel,
        mesh=mesh,
        compiler_params=pltpu.CompilerParams(use_tc_tiling_on_sc=False),
        out_type=jax.ShapeDtypeStruct((N, D), jnp.float32),
        scratch_types=[
            pltpu.VMEM((2 * NBUF, GROUP), jnp.int32),
            pltpu.VMEM((2 * NBUF, GROUP), jnp.int32),
            pltpu.VMEM((NBUF, GROUP, COLS), jnp.float32),
            pltpu.VMEM_SHARED((NPAD, COLS), jnp.float32),
            pltpu.VMEM_SHARED((N, COLS), jnp.float32),
        ]
        + [pltpu.SemaphoreType.DMA] * (2 * NBUF + 1),
    )
    def k(sup_hbm, src_hbm, dst_hbm, bg_hbm, out_hbm, src_v, dst_v, rows_v,
          acc, sup_sh, *sems):
        gsem = sems[:NBUF]
        ssem = sems[NBUF:2 * NBUF]
        isem = sems[2 * NBUF]
        cid = lax.axis_index("c")
        sid = lax.axis_index("s")
        row0 = sid * GPT

        def gather_wait(b):
            pltpu.make_async_copy(bg_hbm.at[cid], rows_v.at[b], gsem[b]).wait()

        def scatter_wait(b):
            pltpu.make_async_copy(
                rows_v.at[b], acc.at[pl.ds(0, GROUP)], ssem[b]).wait()

        def idx_wait():
            pltpu.make_async_copy(
                src_hbm.at[pl.ds(0, NBUF)], src_v.at[pl.ds(0, NBUF)],
                isem).wait()
            pltpu.make_async_copy(
                dst_hbm.at[pl.ds(0, NBUF)], dst_v.at[pl.ds(0, NBUF)],
                isem).wait()

        pltpu.sync_copy(src_hbm.at[pl.ds(row0, NBUF)], src_v.at[pl.ds(0, NBUF)])
        pltpu.sync_copy(dst_hbm.at[pl.ds(row0, NBUF)], dst_v.at[pl.ds(0, NBUF)])
        pltpu.sync_copy(bg_hbm.at[cid], rows_v.at[0])
        for r in range(WCOPIES):
            sl = pl.ds(sid * ROWS_PER_TILE + r * GROUP, GROUP)
            pltpu.sync_copy(rows_v.at[0], acc.at[sl])
        for r in range(SROWS_PER_TILE // SCHUNK):
            ssl = pl.ds(sid * SROWS_PER_TILE + r * SCHUNK, SCHUNK)
            pltpu.sync_copy(sup_hbm.at[cid].at[ssl], sup_sh.at[ssl])
        plsc.subcore_barrier()

        sup = sup_sh

        for b in range(NBUF):
            pltpu.async_copy(sup.at[src_v.at[b]], rows_v.at[b], gsem[b])

        def body(j, carry):
            s = lax.rem(j, 2)
            sn = 1 - s
            cn = lax.rem(j + 1, NCHUNK)
            pltpu.async_copy(src_hbm.at[pl.ds(row0 + cn * NBUF, NBUF)],
                             src_v.at[pl.ds(sn * NBUF, NBUF)], isem)
            pltpu.async_copy(dst_hbm.at[pl.ds(row0 + cn * NBUF, NBUF)],
                             dst_v.at[pl.ds(sn * NBUF, NBUF)], isem)
            for b in range(NBUF // 2):
                gather_wait(b)
                pltpu.async_copy(rows_v.at[b], acc.at[dst_v.at[s * NBUF + b]],
                                 ssem[b], add=True)
            idx_wait()
            for b in range(NBUF // 2):
                scatter_wait(b)
                pltpu.async_copy(sup.at[src_v.at[sn * NBUF + b]], rows_v.at[b],
                                 gsem[b])
            for b in range(NBUF // 2, NBUF):
                gather_wait(b)
                pltpu.async_copy(rows_v.at[b], acc.at[dst_v.at[s * NBUF + b]],
                                 ssem[b], add=True)
            for b in range(NBUF // 2, NBUF):
                scatter_wait(b)
                pltpu.async_copy(sup.at[src_v.at[sn * NBUF + b]], rows_v.at[b],
                                 gsem[b])
            return carry

        lax.fori_loop(0, NCHUNK, body, 0)

        for b in range(NBUF):
            gather_wait(b)
        plsc.subcore_barrier()

        osl = pl.ds(sid * SROWS_PER_TILE, SROWS_PER_TILE)
        pltpu.sync_copy(acc.at[osl],
                        out_hbm.at[osl, pl.ds(cid * COLS, COLS)])

    return k(support2, src2d, dst2d, bg2)


def kernel(x, edge_index, W1, b1, Wg, bg):
    support2 = _mlp(x, W1, b1, Wg)
    src = edge_index[0]
    dst = edge_index[1]
    pad = E_PAD - E
    src_p = jnp.concatenate([src, jnp.zeros((pad,), jnp.int32)])
    dst_p = jnp.concatenate([dst, jnp.full((pad,), N, jnp.int32)])
    src2d = src_p.reshape(E_PAD // GROUP, GROUP)
    dst2d = dst_p.reshape(E_PAD // GROUP, GROUP)
    bg2 = jnp.broadcast_to(bg.reshape(NC, 1, COLS), (NC, GROUP, COLS))
    return _sc_scatter(support2, src2d, dst2d, bg2)

# --- scband reference (transcript-rebuilt; emitter-appended) ---
"""Pipeline reference for scband-mixnet-14250701488901 (READ-ONLY COPY).

The authoritative reference and input builder live on the scoring server;
editing this copy changes nothing except your own understanding.
"""

import jax, jax.numpy as jnp
import numpy as np

N = 10000
E = 320000
D_IN = 128
HID = 128
D_OUT = 128


def setup_inputs(seed: int = 0) -> dict:
    key = jax.random.key(seed)
    k1, k2, k3, k4 = jax.random.split(key, 4)
    x = jax.random.normal(k1, (N, D_IN), dtype=jnp.float32)
    edge_index = jax.random.randint(k2, (2, E), 0, N, dtype=jnp.int32)
    # MLPLayer(input_dim, 128) parameters (glorot-ish init)
    W1 = jax.random.normal(k3, (D_IN, HID), dtype=jnp.float32) * (1.0 / np.sqrt(D_IN))
    b1 = jnp.zeros((HID,), dtype=jnp.float32)
    # GraphConvolution(128, output_dim) parameters
    Wg = jax.random.normal(k4, (HID, D_OUT), dtype=jnp.float32) * (1.0 / np.sqrt(HID))
    bg = jnp.zeros((D_OUT,), dtype=jnp.float32)
    return {"x": x, "edge_index": edge_index, "W1": W1, "b1": b1, "Wg": Wg, "bg": bg}


def reference(x, edge_index, W1, b1, Wg, bg):
    # Layer 1: MLPLayer -> dense linear + ReLU (dropout=0 at inference, no-op)
    h = jax.nn.relu(x @ W1 + b1)
    # Layer 2: GraphConvolution -> support = h @ W; out = spmm(adj, support) + b
    support = h @ Wg
    src = edge_index[0]
    dst = edge_index[1]
    gathered = jnp.take(support, src, axis=0)          # gather over edges
    agg = jax.ops.segment_sum(gathered, dst, num_segments=N)  # scatter-add by dst node
    out = agg + bg
    return out

if __name__ == "__main__":
    import jax
    _d = setup_inputs()
    print(jax.jit(kernel)(*tuple(_d.values())))

</pallas_src>

<mosaic_0001>
#map = affine_map<(d0, d1) -> (0, 0, 0)>
#map1 = affine_map<(d0, d1) -> (0, 0)>
module attributes {stable_mosaic.version = 14 : i64} {
  func.func @k(%arg0: i32, %arg1: i32, %arg2: memref<2x10000x64xf32, #tpu.memory_space<hbm>>, %arg3: memref<2560x128xi32, #tpu.memory_space<hbm>>, %arg4: memref<2560x128xi32, #tpu.memory_space<hbm>>, %arg5: memref<2x128x64xf32, #tpu.memory_space<hbm>>, %arg6: memref<10000x128xf32, #tpu.memory_space<hbm>>, %arg7: memref<10x128xi32, #tpu.memory_space<vmem>>, %arg8: memref<10x128xi32, #tpu.memory_space<vmem>>, %arg9: memref<5x128x64xf32, #tpu.memory_space<vmem>>, %arg10: memref<10240x64xf32, #tpu.memory_space<vmem_shared>>, %arg11: memref<10000x64xf32, #tpu.memory_space<vmem_shared>>, %arg12: memref<!tpu.dma_semaphore, #tpu.memory_space<semaphore_mem>>, %arg13: memref<!tpu.dma_semaphore, #tpu.memory_space<semaphore_mem>>, %arg14: memref<!tpu.dma_semaphore, #tpu.memory_space<semaphore_mem>>, %arg15: memref<!tpu.dma_semaphore, #tpu.memory_space<semaphore_mem>>, %arg16: memref<!tpu.dma_semaphore, #tpu.memory_space<semaphore_mem>>, %arg17: memref<!tpu.dma_semaphore, #tpu.memory_space<semaphore_mem>>, %arg18: memref<!tpu.dma_semaphore, #tpu.memory_space<semaphore_mem>>, %arg19: memref<!tpu.dma_semaphore, #tpu.memory_space<semaphore_mem>>, %arg20: memref<!tpu.dma_semaphore, #tpu.memory_space<semaphore_mem>>, %arg21: memref<!tpu.dma_semaphore, #tpu.memory_space<semaphore_mem>>, %arg22: memref<!tpu.dma_semaphore, #tpu.memory_space<semaphore_mem>>) attributes {dimension_semantics = [#tpu.dimension_semantics<core_parallel>, #tpu.dimension_semantics<subcore_parallel>], iteration_bounds = array<i64: 2, 16>, scalar_prefetch = 0 : i64, scratch_operands = 16 : i64, tpu.core_type = #tpu.core_type<sc_vector_subcore>, window_params = [{transform_indices = #map}, {transform_indices = #map1}, {transform_indices = #map1}, {transform_indices = #map}, {transform_indices = #map1}]} {
    %mul3A = arith.constant 160 : i32
    %mul3A_0 = arith.muli %arg1, %mul3A : i32
    "tpu.region"() ({
      %run_scoped3A_198 = tpu.sem_alloc : memref<!tpu.dma_semaphore, #tpu.memory_space<semaphore_mem>>
      %dma_start3A_199 = arith.constant 0 : i32
      %dma_start3A_200 = arith.constant 0 : i32
      %dma_start3A_201 = tpu.memref_slice %arg7[%dma_start3A_199, %dma_start3A_200] : memref<10x128xi32, #tpu.memory_space<vmem>> -> memref<5x128xi32, #tpu.memory_space<vmem>>
      %dma_start3A_202 = arith.constant 0 : i32
      %dma_start3A_203 = tpu.memref_slice %arg3[%mul3A_0, %dma_start3A_202] : memref<2560x128xi32, #tpu.memory_space<hbm>> -> memref<5x128xi32, #tpu.memory_space<hbm>>
      %dma_start3A_204 = arith.constant 0 : i32
      %dma_start3A_205 = arith.constant 0 : i32
      %dma_start3A_206 = tpu.memref_slice %arg7[%dma_start3A_204, %dma_start3A_205] : memref<10x128xi32, #tpu.memory_space<vmem>> -> memref<5x128xi32, #tpu.memory_space<vmem>>
      %dma_start3A_207 = arith.constant 0 : i32
      %dma_start3A_208 = tpu.memref_slice %arg3[%mul3A_0, %dma_start3A_207] : memref<2560x128xi32, #tpu.memory_space<hbm>> -> memref<5x128xi32, #tpu.memory_space<hbm>>
      tpu.enqueue_dma source(%dma_start3A_208 : memref<5x128xi32, #tpu.memory_space<hbm>>) target(%dma_start3A_206 : memref<5x128xi32, #tpu.memory_space<vmem>>) target_semaphore(%run_scoped3A_198 : memref<!tpu.dma_semaphore, #tpu.memory_space<semaphore_mem>>)
      %dma_wait3A_209 = arith.constant 0 : i32
      %dma_wait3A_210 = arith.constant 0 : i32
      %dma_wait3A_211 = tpu.memref_slice %arg7[%dma_wait3A_209, %dma_wait3A_210] : memref<10x128xi32, #tpu.memory_space<vmem>> -> memref<5x128xi32, #tpu.memory_space<vmem>>
      %dma_wait3A_212 = arith.constant 0 : i32
      %dma_wait3A_213 = tpu.memref_slice %arg3[%mul3A_0, %dma_wait3A_212] : memref<2560x128xi32, #tpu.memory_space<hbm>> -> memref<5x128xi32, #tpu.memory_space<hbm>>
      %dma_wait3A_214 = arith.constant 0 : i32
      %dma_wait3A_215 = arith.constant 0 : i32
      %dma_wait3A_216 = tpu.memref_slice %arg7[%dma_wait3A_214, %dma_wait3A_215] : memref<10x128xi32, #tpu.memory_space<vmem>> -> memref<5x128xi32, #tpu.memory_space<vmem>>
      %dma_wait3A_217 = arith.constant 0 : i32
      %dma_wait3A_218 = tpu.memref_slice %arg3[%mul3A_0, %dma_wait3A_217] : memref<2560x128xi32, #tpu.memory_space<hbm>> -> memref<5x128xi32, #tpu.memory_space<hbm>>
      tpu.wait_dma2 semaphore(%run_scoped3A_198 : memref<!tpu.dma_semaphore, #tpu.memory_space<semaphore_mem>>) src(%dma_wait3A_218 : memref<5x128xi32, #tpu.memory_space<hbm>>) dst(%dma_wait3A_216 : memref<5x128xi32, #tpu.memory_space<vmem>>)
      tpu.yield
    }) : () -> ()
    "tpu.region"() ({
      %run_scoped3A_198 = tpu.sem_alloc : memref<!tpu.dma_semaphore, #tpu.memory_space<semaphore_mem>>
      %dma_start3A_199 = arith.constant 0 : i32
      %dma_start3A_200 = arith.constant 0 : i32
      %dma_start3A_201 = tpu.memref_slice %arg8[%dma_start3A_199, %dma_start3A_200] : memref<10x128xi32, #tpu.memory_space<vmem>> -> memref<5x128xi32, #tpu.memory_space<vmem>>
      %dma_start3A_202 = arith.constant 0 : i32
      %dma_start3A_203 = tpu.memref_slice %arg4[%mul3A_0, %dma_start3A_202] : memref<2560x128xi32, #tpu.memory_space<hbm>> -> memref<5x128xi32, #tpu.memory_space<hbm>>
      %dma_start3A_204 = arith.constant 0 : i32
      %dma_start3A_205 = arith.constant 0 : i32
      %dma_start3A_206 = tpu.memref_slice %arg8[%dma_start3A_204, %dma_start3A_205] : memref<10x128xi32, #tpu.memory_space<vmem>> -> memref<5x128xi32, #tpu.memory_space<vmem>>
      %dma_start3A_207 = arith.constant 0 : i32
      %dma_start3A_208 = tpu.memref_slice %arg4[%mul3A_0, %dma_start3A_207] : memref<2560x128xi32, #tpu.memory_space<hbm>> -> memref<5x128xi32, #tpu.memory_space<hbm>>
      tpu.enqueue_dma source(%dma_start3A_208 : memref<5x128xi32, #tpu.memory_space<hbm>>) target(%dma_start3A_206 : memref<5x128xi32, #tpu.memory_space<vmem>>) target_semaphore(%run_scoped3A_198 : memref<!tpu.dma_semaphore, #tpu.memory_space<semaphore_mem>>)
      %dma_wait3A_209 = arith.constant 0 : i32
      %dma_wait3A_210 = arith.constant 0 : i32
      %dma_wait3A_211 = tpu.memref_slice %arg8[%dma_wait3A_209, %dma_wait3A_210] : memref<10x128xi32, #tpu.memory_space<vmem>> -> memref<5x128xi32, #tpu.memory_space<vmem>>
      %dma_wait3A_212 = arith.constant 0 : i32
      %dma_wait3A_213 = tpu.memref_slice %arg4[%mul3A_0, %dma_wait3A_212] : memref<2560x128xi32, #tpu.memory_space<hbm>> -> memref<5x128xi32, #tpu.memory_space<hbm>>
      %dma_wait3A_214 = arith.constant 0 : i32
      %dma_wait3A_215 = arith.constant 0 : i32
      %dma_wait3A_216 = tpu.memref_slice %arg8[%dma_wait3A_214, %dma_wait3A_215] : memref<10x128xi32, #tpu.memory_space<vmem>> -> memref<5x128xi32, #tpu.memory_space<vmem>>
      %dma_wait3A_217 = arith.constant 0 : i32
      %dma_wait3A_218 = tpu.memref_slice %arg4[%mul3A_0, %dma_wait3A_217] : memref<2560x128xi32, #tpu.memory_space<hbm>> -> memref<5x128xi32, #tpu.memory_space<hbm>>
      tpu.wait_dma2 semaphore(%run_scoped3A_198 : memref<!tpu.dma_semaphore, #tpu.memory_space<semaphore_mem>>) src(%dma_wait3A_218 : memref<5x128xi32, #tpu.memory_space<hbm>>) dst(%dma_wait3A_216 : memref<5x128xi32, #tpu.memory_space<vmem>>)
      tpu.yield
    }) : () -> ()
    %run_scoped3A = arith.constant 0 : i32
    "tpu.region"() ({
      %run_scoped3A_198 = tpu.sem_alloc : memref<!tpu.dma_semaphore, #tpu.memory_space<semaphore_mem>>
      %dma_start3A_199 = arith.constant 0 : i32
      %dma_start3A_200 = arith.constant 0 : i32
      %dma_start3A_201 = tpu.memref_slice %arg9[%run_scoped3A, %dma_start3A_199, %dma_start3A_200] : memref<5x128x64xf32, #tpu.memory_space<vmem>> -> memref<1x128x64xf32, #tpu.memory_space<vmem>>
      %dma_start3A_202 = tpu.memref_squeeze %dma_start3A_201 : memref<1x128x64xf32, #tpu.memory_space<vmem>> -> memref<128x64xf32, #tpu.memory_space<vmem>>
      %dma_start3A_203 = arith.constant 0 : i32
      %dma_start3A_204 = arith.constant 0 : i32
      %dma_start3A_205 = tpu.memref_slice %arg5[%arg0, %dma_start3A_203, %dma_start3A_204] : memref<2x128x64xf32, #tpu.memory_space<hbm>> -> memref<1x128x64xf32, #tpu.memory_space<hbm>>
      %dma_start3A_206 = tpu.memref_squeeze %dma_start3A_205 : memref<1x128x64xf32, #tpu.memory_space<hbm>> -> memref<128x64xf32, #tpu.memory_space<hbm>>
      %dma_start3A_207 = arith.constant 0 : i32
      %dma_start3A_208 = arith.constant 0 : i32
      %dma_start3A_209 = tpu.memref_slice %arg9[%run_scoped3A, %dma_start3A_207, %dma_start3A_208] : memref<5x128x64xf32, #tpu.memory_space<vmem>> -> memref<1x128x64xf32, #tpu.memory_space<vmem>>
      %dma_start3A_210 = tpu.memref_squeeze %dma_start3A_209 : memref<1x128x64xf32, #tpu.memory_space<vmem>> -> memref<128x64xf32, #tpu.memory_space<vmem>>
      %dma_start3A_211 = arith.constant 0 : i32
      %dma_start3A_212 = arith.constant 0 : i32
      %dma_start3A_213 = tpu.memref_slice %arg5[%arg0, %dma_start3A_211, %dma_start3A_212] : memref<2x128x64xf32, #tpu.memory_space<hbm>> -> memref<1x128x64xf32, #tpu.memory_space<hbm>>
      %dma_start3A_214 = tpu.memref_squeeze %dma_start3A_213 : memref<1x128x64xf32, #tpu.memory_space<hbm>> -> memref<128x64xf32, #tpu.memory_space<hbm>>
      tpu.enqueue_dma source(%dma_start3A_214 : memref<128x64xf32, #tpu.memory_space<hbm>>) target(%dma_start3A_210 : memref<128x64xf32, #tpu.memory_space<vmem>>) target_semaphore(%run_scoped3A_198 : memref<!tpu.dma_semaphore, #tpu.memory_space<semaphore_mem>>)
      %dma_wait3A_215 = arith.constant 0 : i32
      %dma_wait3A_216 = arith.constant 0 : i32
      %dma_wait3A_217 = tpu.memref_slice %arg9[%run_scoped3A, %dma_wait3A_215, %dma_wait3A_216] : memref<5x128x64xf32, #tpu.memory_space<vmem>> -> memref<1x128x64xf32, #tpu.memory_space<vmem>>
      %dma_wait3A_218 = tpu.memref_squeeze %dma_wait3A_217 : memref<1x128x64xf32, #tpu.memory_space<vmem>> -> memref<128x64xf32, #tpu.memory_space<vmem>>
      %dma_wait3A_219 = arith.constant 0 : i32
      %dma_wait3A_220 = arith.constant 0 : i32
      %dma_wait3A_221 = tpu.memref_slice %arg5[%arg0, %dma_wait3A_219, %dma_wait3A_220] : memref<2x128x64xf32, #tpu.memory_space<hbm>> -> memref<1x128x64xf32, #tpu.memory_space<hbm>>
      %dma_wait3A_222 = tpu.memref_squeeze %dma_wait3A_221 : memref<1x128x64xf32, #tpu.memory_space<hbm>> -> memref<128x64xf32, #tpu.memory_space<hbm>>
      %dma_wait3A_223 = arith.constant 0 : i32
      %dma_wait3A_224 = arith.constant 0 : i32
      %dma_wait3A_225 = tpu.memref_slice %arg9[%run_scoped3A, %dma_wait3A_223, %dma_wait3A_224] : memref<5x128x64xf32, #tpu.memory_space<vmem>> -> memref<1x128x64xf32, #tpu.memory_space<vmem>>
      %dma_wait3A_226 = tpu.memref_squeeze %dma_wait3A_225 : memref<1x128x64xf32, #tpu.memory_space<vmem>> -> memref<128x64xf32, #tpu.memory_space<vmem>>
      %dma_wait3A_227 = arith.constant 0 : i32
      %dma_wait3A_228 = arith.constant 0 : i32
      %dma_wait3A_229 = tpu.memref_slice %arg5[%arg0, %dma_wait3A_227, %dma_wait3A_228] : memref<2x128x64xf32, #tpu.memory_space<hbm>> -> memref<1x128x64xf32, #tpu.memory_space<hbm>>
      %dma_wait3A_230 = tpu.memref_squeeze %dma_wait3A_229 : memref<1x128x64xf32, #tpu.memory_space<hbm>> -> memref<128x64xf32, #tpu.memory_space<hbm>>
      tpu.wait_dma2 semaphore(%run_scoped3A_198 : memref<!tpu.dma_semaphore, #tpu.memory_space<semaphore_mem>>) src(%dma_wait3A_230 : memref<128x64xf32, #tpu.memory_space<hbm>>) dst(%dma_wait3A_226 : memref<128x64xf32, #tpu.memory_space<vmem>>)
      tpu.yield
    }) : () -> ()
    %mul3A_1 = arith.constant 640 : i32
    %mul3A_2 = arith.muli %arg1, %mul3A_1 : i32
    %add3A = arith.constant 0 : i32
    %add3A_3 = arith.addi %mul3A_2, %add3A : i32
    %run_scoped3A_4 = arith.constant 0 : i32
    "tpu.region"() ({
      %run_scoped3A_198 = tpu.sem_alloc : memref<!tpu.dma_semaphore, #tpu.memory_space<semaphore_mem>>
      %dma_start3A_199 = arith.constant 0 : i32
      %dma_start3A_200 = arith.constant 0 : i32
      %dma_start3A_201 = tpu.memref_slice %arg9[%run_scoped3A_4, %dma_start3A_199, %dma_start3A_200] : memref<5x128x64xf32, #tpu.memory_space<vmem>> -> memref<1x128x64xf32, #tpu.memory_space<vmem>>
      %dma_start3A_202 = tpu.memref_squeeze %dma_start3A_201 : memref<1x128x64xf32, #tpu.memory_space<vmem>> -> memref<128x64xf32, #tpu.memory_space<vmem>>
      %dma_start3A_203 = arith.constant 0 : i32
      %dma_start3A_204 = tpu.memref_slice %arg10[%add3A_3, %dma_start3A_203] : memref<10240x64xf32, #tpu.memory_space<vmem_shared>> -> memref<128x64xf32, #tpu.memory_space<vmem_shared>>
      %dma_start3A_205 = arith.constant 0 : i32
      %dma_start3A_206 = tpu.memref_slice %arg10[%add3A_3, %dma_start3A_205] : memref<10240x64xf32, #tpu.memory_space<vmem_shared>> -> memref<128x64xf32, #tpu.memory_space<vmem_shared>>
      %dma_start3A_207 = arith.constant 0 : i32
      %dma_start3A_208 = arith.constant 0 : i32
      %dma_start3A_209 = tpu.memref_slice %arg9[%run_scoped3A_4, %dma_start3A_207, %dma_start3A_208] : memref<5x128x64xf32, #tpu.memory_space<vmem>> -> memref<1x128x64xf32, #tpu.memory_space<vmem>>
      %dma_start3A_210 = tpu.memref_squeeze %dma_start3A_209 : memref<1x128x64xf32, #tpu.memory_space<vmem>> -> memref<128x64xf32, #tpu.memory_space<vmem>>
      tpu.enqueue_dma source(%dma_start3A_210 : memref<128x64xf32, #tpu.memory_space<vmem>>) target(%dma_start3A_206 : memref<128x64xf32, #tpu.memory_space<vmem_shared>>) target_semaphore(%run_scoped3A_198 : memref<!tpu.dma_semaphore, #tpu.memory_space<semaphore_mem>>)
      %dma_wait3A_211 = arith.constant 0 : i32
      %dma_wait3A_212 = arith.constant 0 : i32
      %dma_wait3A_213 = tpu.memref_slice %arg9[%run_scoped3A_4, %dma_wait3A_211, %dma_wait3A_212] : memref<5x128x64xf32, #tpu.memory_space<vmem>> -> memref<1x128x64xf32, #tpu.memory_space<vmem>>
      %dma_wait3A_214 = tpu.memref_squeeze %dma_wait3A_213 : memref<1x128x64xf32, #tpu.memory_space<vmem>> -> memref<128x64xf32, #tpu.memory_space<vmem>>
      %dma_wait3A_215 = arith.constant 0 : i32
      %dma_wait3A_216 = tpu.memref_slice %arg10[%add3A_3, %dma_wait3A_215] : memref<10240x64xf32, #tpu.memory_space<vmem_shared>> -> memref<128x64xf32, #tpu.memory_space<vmem_shared>>
      %dma_wait3A_217 = arith.constant 0 : i32
      %dma_wait3A_218 = tpu.memref_slice %arg10[%add3A_3, %dma_wait3A_217] : memref<10240x64xf32, #tpu.memory_space<vmem_shared>> -> memref<128x64xf32, #tpu.memory_space<vmem_shared>>
      %dma_wait3A_219 = arith.constant 0 : i32
      %dma_wait3A_220 = arith.constant 0 : i32
      %dma_wait3A_221 = tpu.memref_slice %arg9[%run_scoped3A_4, %dma_wait3A_219, %dma_wait3A_220] : memref<5x128x64xf32, #tpu.memory_space<vmem>> -> memref<1x128x64xf32, #tpu.memory_space<vmem>>
      %dma_wait3A_222 = tpu.memref_squeeze %dma_wait3A_221 : memref<1x128x64xf32, #tpu.memory_space<vmem>> -> memref<128x64xf32, #tpu.memory_space<vmem>>
      tpu.wait_dma2 semaphore(%run_scoped3A_198 : memref<!tpu.dma_semaphore, #tpu.memory_space<semaphore_mem>>) src(%dma_wait3A_222 : memref<128x64xf32, #tpu.memory_space<vmem>>) dst(%dma_wait3A_218 : memref<128x64xf32, #tpu.memory_space<vmem_shared>>)
      tpu.yield
    }) : () -> ()
    %mul3A_5 = arith.constant 640 : i32
    %mul3A_6 = arith.muli %arg1, %mul3A_5 : i32
    %add3A_7 = arith.constant 128 : i32
    %add3A_8 = arith.addi %mul3A_6, %add3A_7 : i32
    %run_scoped3A_9 = arith.constant 0 : i32
    "tpu.region"() ({
      %run_scoped3A_198 = tpu.sem_alloc : memref<!tpu.dma_semaphore, #tpu.memory_space<semaphore_mem>>
      %dma_start3A_199 = arith.constant 0 : i32
      %dma_start3A_200 = arith.constant 0 : i32
      %dma_start3A_201 = tpu.memref_slice %arg9[%run_scoped3A_9, %dma_start3A_199, %dma_start3A_200] : memref<5x128x64xf32, #tpu.memory_space<vmem>> -> memref<1x128x64xf32, #tpu.memory_space<vmem>>
      %dma_start3A_202 = tpu.memref_squeeze %dma_start3A_201 : memref<1x128x64xf32, #tpu.memory_space<vmem>> -> memref<128x64xf32, #tpu.memory_space<vmem>>
      %dma_start3A_203 = arith.constant 0 : i32
      %dma_start3A_204 = tpu.memref_slice %arg10[%add3A_8, %dma_start3A_203] : memref<10240x64xf32, #tpu.memory_space<vmem_shared>> -> memref<128x64xf32, #tpu.memory_space<vmem_shared>>
      %dma_start3A_205 = arith.constant 0 : i32
      %dma_start3A_206 = tpu.memref_slice %arg10[%add3A_8, %dma_start3A_205] : memref<10240x64xf32, #tpu.memory_space<vmem_shared>> -> memref<128x64xf32, #tpu.memory_space<vmem_shared>>
      %dma_start3A_207 = arith.constant 0 : i32
      %dma_start3A_208 = arith.constant 0 : i32
      %dma_start3A_209 = tpu.memref_slice %arg9[%run_scoped3A_9, %dma_start3A_207, %dma_start3A_208] : memref<5x128x64xf32, #tpu.memory_space<vmem>> -> memref<1x128x64xf32, #tpu.memory_space<vmem>>
      %dma_start3A_210 = tpu.memref_squeeze %dma_start3A_209 : memref<1x128x64xf32, #tpu.memory_space<vmem>> -> memref<128x64xf32, #tpu.memory_space<vmem>>
      tpu.enqueue_dma source(%dma_start3A_210 : memref<128x64xf32, #tpu.memory_space<vmem>>) target(%dma_start3A_206 : memref<128x64xf32, #tpu.memory_space<vmem_shared>>) target_semaphore(%run_scoped3A_198 : memref<!tpu.dma_semaphore, #tpu.memory_space<semaphore_mem>>)
      %dma_wait3A_211 = arith.constant 0 : i32
      %dma_wait3A_212 = arith.constant 0 : i32
      %dma_wait3A_213 = tpu.memref_slice %arg9[%run_scoped3A_9, %dma_wait3A_211, %dma_wait3A_212] : memref<5x128x64xf32, #tpu.memory_space<vmem>> -> memref<1x128x64xf32, #tpu.memory_space<vmem>>
      %dma_wait3A_214 = tpu.memref_squeeze %dma_wait3A_213 : memref<1x128x64xf32, #tpu.memory_space<vmem>> -> memref<128x64xf32, #tpu.memory_space<vmem>>
      %dma_wait3A_215 = arith.constant 0 : i32
      %dma_wait3A_216 = tpu.memref_slice %arg10[%add3A_8, %dma_wait3A_215] : memref<10240x64xf32, #tpu.memory_space<vmem_shared>> -> memref<128x64xf32, #tpu.memory_space<vmem_shared>>
      %dma_wait3A_217 = arith.constant 0 : i32
      %dma_wait3A_218 = tpu.memref_slice %arg10[%add3A_8, %dma_wait3A_217] : memref<10240x64xf32, #tpu.memory_space<vmem_shared>> -> memref<128x64xf32, #tpu.memory_space<vmem_shared>>
      %dma_wait3A_219 = arith.constant 0 : i32
      %dma_wait3A_220 = arith.constant 0 : i32
      %dma_wait3A_221 = tpu.memref_slice %arg9[%run_scoped3A_9, %dma_wait3A_219, %dma_wait3A_220] : memref<5x128x64xf32, #tpu.memory_space<vmem>> -> memref<1x128x64xf32, #tpu.memory_space<vmem>>
      %dma_wait3A_222 = tpu.memref_squeeze %dma_wait3A_221 : memref<1x128x64xf32, #tpu.memory_space<vmem>> -> memref<128x64xf32, #tpu.memory_space<vmem>>
      tpu.wait_dma2 semaphore(%run_scoped3A_198 : memref<!tpu.dma_semaphore, #tpu.memory_space<semaphore_mem>>) src(%dma_wait3A_222 : memref<128x64xf32, #tpu.memory_space<vmem>>) dst(%dma_wait3A_218 : memref<128x64xf32, #tpu.memory_space<vmem_shared>>)
      tpu.yield
    }) : () -> ()
    %mul3A_10 = arith.constant 640 : i32
    %mul3A_11 = arith.muli %arg1, %mul3A_10 : i32
    %add3A_12 = arith.constant 256 : i32
    %add3A_13 = arith.addi %mul3A_11, %add3A_12 : i32
    %run_scoped3A_14 = arith.constant 0 : i32
    "tpu.region"() ({
      %run_scoped3A_198 = tpu.sem_alloc : memref<!tpu.dma_semaphore, #tpu.memory_space<semaphore_mem>>
      %dma_start3A_199 = arith.constant 0 : i32
      %dma_start3A_200 = arith.constant 0 : i32
      %dma_start3A_201 = tpu.memref_slice %arg9[%run_scoped3A_14, %dma_start3A_199, %dma_start3A_200] : memref<5x128x64xf32, #tpu.memory_space<vmem>> -> memref<1x128x64xf32, #tpu.memory_space<vmem>>
      %dma_start3A_202 = tpu.memref_squeeze %dma_start3A_201 : memref<1x128x64xf32, #tpu.memory_space<vmem>> -> memref<128x64xf32, #tpu.memory_space<vmem>>
      %dma_start3A_203 = arith.constant 0 : i32
      %dma_start3A_204 = tpu.memref_slice %arg10[%add3A_13, %dma_start3A_203] : memref<10240x64xf32, #tpu.memory_space<vmem_shared>> -> memref<128x64xf32, #tpu.memory_space<vmem_shared>>
      %dma_start3A_205 = arith.constant 0 : i32
      %dma_start3A_206 = tpu.memref_slice %arg10[%add3A_13, %dma_start3A_205] : memref<10240x64xf32, #tpu.memory_space<vmem_shared>> -> memref<128x64xf32, #tpu.memory_space<vmem_shared>>
      %dma_start3A_207 = arith.constant 0 : i32
      %dma_start3A_208 = arith.constant 0 : i32
      %dma_start3A_209 = tpu.memref_slice %arg9[%run_scoped3A_14, %dma_start3A_207, %dma_start3A_208] : memref<5x128x64xf32, #tpu.memory_space<vmem>> -> memref<1x128x64xf32, #tpu.memory_space<vmem>>
      %dma_start3A_210 = tpu.memref_squeeze %dma_start3A_209 : memref<1x128x64xf32, #tpu.memory_space<vmem>> -> memref<128x64xf32, #tpu.memory_space<vmem>>
      tpu.enqueue_dma source(%dma_start3A_210 : memref<128x64xf32, #tpu.memory_space<vmem>>) target(%dma_start3A_206 : memref<128x64xf32, #tpu.memory_space<vmem_shared>>) target_semaphore(%run_scoped3A_198 : memref<!tpu.dma_semaphore, #tpu.memory_space<semaphore_mem>>)
      %dma_wait3A_211 = arith.constant 0 : i32
      %dma_wait3A_212 = arith.constant 0 : i32
      %dma_wait3A_213 = tpu.memref_slice %arg9[%run_scoped3A_14, %dma_wait3A_211, %dma_wait3A_212] : memref<5x128x64xf32, #tpu.memory_space<vmem>> -> memref<1x128x64xf32, #tpu.memory_space<vmem>>
      %dma_wait3A_214 = tpu.memref_squeeze %dma_wait3A_213 : memref<1x128x64xf32, #tpu.memory_space<vmem>> -> memref<128x64xf32, #tpu.memory_space<vmem>>
      %dma_wait3A_215 = arith.constant 0 : i32
      %dma_wait3A_216 = tpu.memref_slice %arg10[%add3A_13, %dma_wait3A_215] : memref<10240x64xf32, #tpu.memory_space<vmem_shared>> -> memref<128x64xf32, #tpu.memory_space<vmem_shared>>
      %dma_wait3A_217 = arith.constant 0 : i32
      %dma_wait3A_218 = tpu.memref_slice %arg10[%add3A_13, %dma_wait3A_217] : memref<10240x64xf32, #tpu.memory_space<vmem_shared>> -> memref<128x64xf32, #tpu.memory_space<vmem_shared>>
      %dma_wait3A_219 = arith.constant 0 : i32
      %dma_wait3A_220 = arith.constant 0 : i32
      %dma_wait3A_221 = tpu.memref_slice %arg9[%run_scoped3A_14, %dma_wait3A_219, %dma_wait3A_220] : memref<5x128x64xf32, #tpu.memory_space<vmem>> -> memref<1x128x64xf32, #tpu.memory_space<vmem>>
      %dma_wait3A_222 = tpu.memref_squeeze %dma_wait3A_221 : memref<1x128x64xf32, #tpu.memory_space<vmem>> -> memref<128x64xf32, #tpu.memory_space<vmem>>
      tpu.wait_dma2 semaphore(%run_scoped3A_198 : memref<!tpu.dma_semaphore, #tpu.memory_space<semaphore_mem>>) src(%dma_wait3A_222 : memref<128x64xf32, #tpu.memory_space<vmem>>) dst(%dma_wait3A_218 : memref<128x64xf32, #tpu.memory_space<vmem_shared>>)
      tpu.yield
    }) : () -> ()
    %mul3A_15 = arith.constant 640 : i32
    %mul3A_16 = arith.muli %arg1, %mul3A_15 : i32
    %add3A_17 = arith.constant 384 : i32
    %add3A_18 = arith.addi %mul3A_16, %add3A_17 : i32
    %run_scoped3A_19 = arith.constant 0 : i32
    "tpu.region"() ({
      %run_scoped3A_198 = tpu.sem_alloc : memref<!tpu.dma_semaphore, #tpu.memory_space<semaphore_mem>>
      %dma_start3A_199 = arith.constant 0 : i32
      %dma_start3A_200 = arith.constant 0 : i32
      %dma_start3A_201 = tpu.memref_slice %arg9[%run_scoped3A_19, %dma_start3A_199, %dma_start3A_200] : memref<5x128x64xf32, #tpu.memory_space<vmem>> -> memref<1x128x64xf32, #tpu.memory_space<vmem>>
      %dma_start3A_202 = tpu.memref_squeeze %dma_start3A_201 : memref<1x128x64xf32, #tpu.memory_space<vmem>> -> memref<128x64xf32, #tpu.memory_space<vmem>>
      %dma_start3A_203 = arith.constant 0 : i32
      %dma_start3A_204 = tpu.memref_slice %arg10[%add3A_18, %dma_start3A_203] : memref<10240x64xf32, #tpu.memory_space<vmem_shared>> -> memref<128x64xf32, #tpu.memory_space<vmem_shared>>
      %dma_start3A_205 = arith.constant 0 : i32
      %dma_start3A_206 = tpu.memref_slice %arg10[%add3A_18, %dma_start3A_205] : memref<10240x64xf32, #tpu.memory_space<vmem_shared>> -> memref<128x64xf32, #tpu.memory_space<vmem_shared>>
      %dma_start3A_207 = arith.constant 0 : i32
      %dma_start3A_208 = arith.constant 0 : i32
      %dma_start3A_209 = tpu.memref_slice %arg9[%run_scoped3A_19, %dma_start3A_207, %dma_start3A_208] : memref<5x128x64xf32, #tpu.memory_space<vmem>> -> memref<1x128x64xf32, #tpu.memory_space<vmem>>
      %dma_start3A_210 = tpu.memref_squeeze %dma_start3A_209 : memref<1x128x64xf32, #tpu.memory_space<vmem>> -> memref<128x64xf32, #tpu.memory_space<vmem>>
      tpu.enqueue_dma source(%dma_start3A_210 : memref<128x64xf32, #tpu.memory_space<vmem>>) target(%dma_start3A_206 : memref<128x64xf32, #tpu.memory_space<vmem_shared>>) target_semaphore(%run_scoped3A_198 : memref<!tpu.dma_semaphore, #tpu.memory_space<semaphore_mem>>)
      %dma_wait3A_211 = arith.constant 0 : i32
      %dma_wait3A_212 = arith.constant 0 : i32
      %dma_wait3A_213 = tpu.memref_slice %arg9[%run_scoped3A_19, %dma_wait3A_211, %dma_wait3A_212] : memref<5x128x64xf32, #tpu.memory_space<vmem>> -> memref<1x128x64xf32, #tpu.memory_space<vmem>>
      %dma_wait3A_214 = tpu.memref_squeeze %dma_wait3A_213 : memref<1x128x64xf32, #tpu.memory_space<vmem>> -> memref<128x64xf32, #tpu.memory_space<vmem>>
      %dma_wait3A_215 = arith.constant 0 : i32
      %dma_wait3A_216 = tpu.memref_slice %arg10[%add3A_18, %dma_wait3A_215] : memref<10240x64xf32, #tpu.memory_space<vmem_shared>> -> memref<128x64xf32, #tpu.memory_space<vmem_shared>>
      %dma_wait3A_217 = arith.constant 0 : i32
      %dma_wait3A_218 = tpu.memref_slice %arg10[%add3A_18, %dma_wait3A_217] : memref<10240x64xf32, #tpu.memory_space<vmem_shared>> -> memref<128x64xf32, #tpu.memory_space<vmem_shared>>
      %dma_wait3A_219 = arith.constant 0 : i32
      %dma_wait3A_220 = arith.constant 0 : i32
      %dma_wait3A_221 = tpu.memref_slice %arg9[%run_scoped3A_19, %dma_wait3A_219, %dma_wait3A_220] : memref<5x128x64xf32, #tpu.memory_space<vmem>> -> memref<1x128x64xf32, #tpu.memory_space<vmem>>
      %dma_wait3A_222 = tpu.memref_squeeze %dma_wait3A_221 : memref<1x128x64xf32, #tpu.memory_space<vmem>> -> memref<128x64xf32, #tpu.memory_space<vmem>>
      tpu.wait_dma2 semaphore(%run_scoped3A_198 : memref<!tpu.dma_semaphore, #tpu.memory_space<semaphore_mem>>) src(%dma_wait3A_222 : memref<128x64xf32, #tpu.memory_space<vmem>>) dst(%dma_wait3A_218 : memref<128x64xf32, #tpu.memory_space<vmem_shared>>)
      tpu.yield
    }) : () -> ()
    %mul3A_20 = arith.constant 640 : i32
    %mul3A_21 = arith.muli %arg1, %mul3A_20 : i32
    %add3A_22 = arith.constant 512 : i32
    %add3A_23 = arith.addi %mul3A_21, %add3A_22 : i32
    %run_scoped3A_24 = arith.constant 0 : i32
    "tpu.region"() ({
      %run_scoped3A_198 = tpu.sem_alloc : memref<!tpu.dma_semaphore, #tpu.memory_space<semaphore_mem>>
      %dma_start3A_199 = arith.constant 0 : i32
      %dma_start3A_200 = arith.constant 0 : i32
      %dma_start3A_201 = tpu.memref_slice %arg9[%run_scoped3A_24, %dma_start3A_199, %dma_start3A_200] : memref<5x128x64xf32, #tpu.memory_space<vmem>> -> memref<1x128x64xf32, #tpu.memory_space<vmem>>
      %dma_start3A_202 = tpu.memref_squeeze %dma_start3A_201 : memref<1x128x64xf32, #tpu.memory_space<vmem>> -> memref<128x64xf32, #tpu.memory_space<vmem>>
      %dma_start3A_203 = arith.constant 0 : i32
      %dma_start3A_204 = tpu.memref_slice %arg10[%add3A_23, %dma_start3A_203] : memref<10240x64xf32, #tpu.memory_space<vmem_shared>> -> memref<128x64xf32, #tpu.memory_space<vmem_shared>>
      %dma_start3A_205 = arith.constant 0 : i32
      %dma_start3A_206 = tpu.memref_slice %arg10[%add3A_23, %dma_start3A_205] : memref<10240x64xf32, #tpu.memory_space<vmem_shared>> -> memref<128x64xf32, #tpu.memory_space<vmem_shared>>
      %dma_start3A_207 = arith.constant 0 : i32
      %dma_start3A_208 = arith.constant 0 : i32
      %dma_start3A_209 = tpu.memref_slice %arg9[%run_scoped3A_24, %dma_start3A_207, %dma_start3A_208] : memref<5x128x64xf32, #tpu.memory_space<vmem>> -> memref<1x128x64xf32, #tpu.memory_space<vmem>>
      %dma_start3A_210 = tpu.memref_squeeze %dma_start3A_209 : memref<1x128x64xf32, #tpu.memory_space<vmem>> -> memref<128x64xf32, #tpu.memory_space<vmem>>
      tpu.enqueue_dma source(%dma_start3A_210 : memref<128x64xf32, #tpu.memory_space<vmem>>) target(%dma_start3A_206 : memref<128x64xf32, #tpu.memory_space<vmem_shared>>) target_semaphore(%run_scoped3A_198 : memref<!tpu.dma_semaphore, #tpu.memory_space<semaphore_mem>>)
      %dma_wait3A_211 = arith.constant 0 : i32
      %dma_wait3A_212 = arith.constant 0 : i32
      %dma_wait3A_213 = tpu.memref_slice %arg9[%run_scoped3A_24, %dma_wait3A_211, %dma_wait3A_212] : memref<5x128x64xf32, #tpu.memory_space<vmem>> -> memref<1x128x64xf32, #tpu.memory_space<vmem>>
      %dma_wait3A_214 = tpu.memref_squeeze %dma_wait3A_213 : memref<1x128x64xf32, #tpu.memory_space<vmem>> -> memref<128x64xf32, #tpu.memory_space<vmem>>
      %dma_wait3A_215 = arith.constant 0 : i32
      %dma_wait3A_216 = tpu.memref_slice %arg10[%add3A_23, %dma_wait3A_215] : memref<10240x64xf32, #tpu.memory_space<vmem_shared>> -> memref<128x64xf32, #tpu.memory_space<vmem_shared>>
      %dma_wait3A_217 = arith.constant 0 : i32
      %dma_wait3A_218 = tpu.memref_slice %arg10[%add3A_23, %dma_wait3A_217] : memref<10240x64xf32, #tpu.memory_space<vmem_shared>> -> memref<128x64xf32, #tpu.memory_space<vmem_shared>>
      %dma_wait3A_219 = arith.constant 0 : i32
      %dma_wait3A_220 = arith.constant 0 : i32
      %dma_wait3A_221 = tpu.memref_slice %arg9[%run_scoped3A_24, %dma_wait3A_219, %dma_wait3A_220] : memref<5x128x64xf32, #tpu.memory_space<vmem>> -> memref<1x128x64xf32, #tpu.memory_space<vmem>>
      %dma_wait3A_222 = tpu.memref_squeeze %dma_wait3A_221 : memref<1x128x64xf32, #tpu.memory_space<vmem>> -> memref<128x64xf32, #tpu.memory_space<vmem>>
      tpu.wait_dma2 semaphore(%run_scoped3A_198 : memref<!tpu.dma_semaphore, #tpu.memory_space<semaphore_mem>>) src(%dma_wait3A_222 : memref<128x64xf32, #tpu.memory_space<vmem>>) dst(%dma_wait3A_218 : memref<128x64xf32, #tpu.memory_space<vmem_shared>>)
      tpu.yield
    }) : () -> ()
    %mul3A_25 = arith.constant 625 : i32
    %mul3A_26 = arith.muli %arg1, %mul3A_25 : i32
    %add3A_27 = arith.constant 0 : i32
    %add3A_28 = arith.addi %mul3A_26, %add3A_27 : i32
    "tpu.region"() ({
      %run_scoped3A_198 = tpu.sem_alloc : memref<!tpu.dma_semaphore, #tpu.memory_space<semaphore_mem>>
      %dma_start3A_199 = arith.constant 0 : i32
      %dma_start3A_200 = tpu.memref_slice %arg11[%add3A_28, %dma_start3A_199] : memref<10000x64xf32, #tpu.memory_space<vmem_shared>> -> memref<125x64xf32, #tpu.memory_space<vmem_shared>>
      %dma_start3A_201 = arith.constant 0 : i32
      %dma_start3A_202 = arith.constant 0 : i32
      %dma_start3A_203 = tpu.memref_slice %arg2[%arg0, %dma_start3A_201, %dma_start3A_202] : memref<2x10000x64xf32, #tpu.memory_space<hbm>> -> memref<1x10000x64xf32, #tpu.memory_space<hbm>>
      %dma_start3A_204 = tpu.memref_squeeze %dma_start3A_203 : memref<1x10000x64xf32, #tpu.memory_space<hbm>> -> memref<10000x64xf32, #tpu.memory_space<hbm>>
      %dma_start3A_205 = arith.constant 0 : i32
      %dma_start3A_206 = tpu.memref_slice %dma_start3A_204[%add3A_28, %dma_start3A_205] : memref<10000x64xf32, #tpu.memory_space<hbm>> -> memref<125x64xf32, #tpu.memory_space<hbm>>
      tpu.enqueue_dma source(%dma_start3A_206 : memref<125x64xf32, #tpu.memory_space<hbm>>) target(%dma_start3A_200 : memref<125x64xf32, #tpu.memory_space<vmem_shared>>) target_semaphore(%run_scoped3A_198 : memref<!tpu.dma_semaphore, #tpu.memory_space<semaphore_mem>>)
      %dma_wait3A_207 = arith.constant 0 : i32
      %dma_wait3A_208 = tpu.memref_slice %arg11[%add3A_28, %dma_wait3A_207] : memref<10000x64xf32, #tpu.memory_space<vmem_shared>> -> memref<125x64xf32, #tpu.memory_space<vmem_shared>>
      %dma_wait3A_209 = arith.constant 0 : i32
      %dma_wait3A_210 = arith.constant 0 : i32
      %dma_wait3A_211 = tpu.memref_slice %arg2[%arg0, %dma_wait3A_209, %dma_wait3A_210] : memref<2x10000x64xf32, #tpu.memory_space<hbm>> -> memref<1x10000x64xf32, #tpu.memory_space<hbm>>
      %dma_wait3A_212 = tpu.memref_squeeze %dma_wait3A_211 : memref<1x10000x64xf32, #tpu.memory_space<hbm>> -> memref<10000x64xf32, #tpu.memory_space<hbm>>
      %dma_wait3A_213 = arith.constant 0 : i32
      %dma_wait3A_214 = tpu.memref_slice %dma_wait3A_212[%add3A_28, %dma_wait3A_213] : memref<10000x64xf32, #tpu.memory_space<hbm>> -> memref<125x64xf32, #tpu.memory_space<hbm>>
      tpu.wait_dma2 semaphore(%run_scoped3A_198 : memref<!tpu.dma_semaphore, #tpu.memory_space<semaphore_mem>>) src(%dma_wait3A_214 : memref<125x64xf32, #tpu.memory_space<hbm>>) dst(%dma_wait3A_208 : memref<125x64xf32, #tpu.memory_space<vmem_shared>>)
      tpu.yield
    }) : () -> ()
    %mul3A_29 = arith.constant 625 : i32
    %mul3A_30 = arith.muli %arg1, %mul3A_29 : i32
    %add3A_31 = arith.constant 125 : i32
    %add3A_32 = arith.addi %mul3A_30, %add3A_31 : i32
    "tpu.region"() ({
      %run_scoped3A_198 = tpu.sem_alloc : memref<!tpu.dma_semaphore, #tpu.memory_space<semaphore_mem>>
      %dma_start3A_199 = arith.constant 0 : i32
      %dma_start3A_200 = tpu.memref_slice %arg11[%add3A_32, %dma_start3A_199] : memref<10000x64xf32, #tpu.memory_space<vmem_shared>> -> memref<125x64xf32, #tpu.memory_space<vmem_shared>>
      %dma_start3A_201 = arith.constant 0 : i32
      %dma_start3A_202 = arith.constant 0 : i32
      %dma_start3A_203 = tpu.memref_slice %arg2[%arg0, %dma_start3A_201, %dma_start3A_202] : memref<2x10000x64xf32, #tpu.memory_space<hbm>> -> memref<1x10000x64xf32, #tpu.memory_space<hbm>>
      %dma_start3A_204 = tpu.memref_squeeze %dma_start3A_203 : memref<1x10000x64xf32, #tpu.memory_space<hbm>> -> memref<10000x64xf32, #tpu.memory_space<hbm>>
      %dma_start3A_205 = arith.constant 0 : i32
      %dma_start3A_206 = tpu.memref_slice %dma_start3A_204[%add3A_32, %dma_start3A_205] : memref<10000x64xf32, #tpu.memory_space<hbm>> -> memref<125x64xf32, #tpu.memory_space<hbm>>
      tpu.enqueue_dma source(%dma_start3A_206 : memref<125x64xf32, #tpu.memory_space<hbm>>) target(%dma_start3A_200 : memref<125x64xf32, #tpu.memory_space<vmem_shared>>) target_semaphore(%run_scoped3A_198 : memref<!tpu.dma_semaphore, #tpu.memory_space<semaphore_mem>>)
      %dma_wait3A_207 = arith.constant 0 : i32
      %dma_wait3A_208 = tpu.memref_slice %arg11[%add3A_32, %dma_wait3A_207] : memref<10000x64xf32, #tpu.memory_space<vmem_shared>> -> memref<125x64xf32, #tpu.memory_space<vmem_shared>>
      %dma_wait3A_209 = arith.constant 0 : i32
      %dma_wait3A_210 = arith.constant 0 : i32
      %dma_wait3A_211 = tpu.memref_slice %arg2[%arg0, %dma_wait3A_209, %dma_wait3A_210] : memref<2x10000x64xf32, #tpu.memory_space<hbm>> -> memref<1x10000x64xf32, #tpu.memory_space<hbm>>
      %dma_wait3A_212 = tpu.memref_squeeze %dma_wait3A_211 : memref<1x10000x64xf32, #tpu.memory_space<hbm>> -> memref<10000x64xf32, #tpu.memory_space<hbm>>
      %dma_wait3A_213 = arith.constant 0 : i32
      %dma_wait3A_214 = tpu.memref_slice %dma_wait3A_212[%add3A_32, %dma_wait3A_213] : memref<10000x64xf32, #tpu.memory_space<hbm>> -> memref<125x64xf32, #tpu.memory_space<hbm>>
      tpu.wait_dma2 semaphore(%run_scoped3A_198 : memref<!tpu.dma_semaphore, #tpu.memory_space<semaphore_mem>>) src(%dma_wait3A_214 : memref<125x64xf32, #tpu.memory_space<hbm>>) dst(%dma_wait3A_208 : memref<125x64xf32, #tpu.memory_space<vmem_shared>>)
      tpu.yield
    }) : () -> ()
    %mul3A_33 = arith.constant 625 : i32
    %mul3A_34 = arith.muli %arg1, %mul3A_33 : i32
    %add3A_35 = arith.constant 250 : i32
    %add3A_36 = arith.addi %mul3A_34, %add3A_35 : i32
    "tpu.region"() ({
      %run_scoped3A_198 = tpu.sem_alloc : memref<!tpu.dma_semaphore, #tpu.memory_space<semaphore_mem>>
      %dma_start3A_199 = arith.constant 0 : i32
      %dma_start3A_200 = tpu.memref_slice %arg11[%add3A_36, %dma_start3A_199] : memref<10000x64xf32, #tpu.memory_space<vmem_shared>> -> memref<125x64xf32, #tpu.memory_space<vmem_shared>>
      %dma_start3A_201 = arith.constant 0 : i32
      %dma_start3A_202 = arith.constant 0 : i32
      %dma_start3A_203 = tpu.memref_slice %arg2[%arg0, %dma_start3A_201, %dma_start3A_202] : memref<2x10000x64xf32, #tpu.memory_space<hbm>> -> memref<1x10000x64xf32, #tpu.memory_space<hbm>>
      %dma_start3A_204 = tpu.memref_squeeze %dma_start3A_203 : memref<1x10000x64xf32, #tpu.memory_space<hbm>> -> memref<10000x64xf32, #tpu.memory_space<hbm>>
      %dma_start3A_205 = arith.constant 0 : i32
      %dma_start3A_206 = tpu.memref_slice %dma_start3A_204[%add3A_36, %dma_start3A_205] : memref<10000x64xf32, #tpu.memory_space<hbm>> -> memref<125x64xf32, #tpu.memory_space<hbm>>
      tpu.enqueue_dma source(%dma_start3A_206 : memref<125x64xf32, #tpu.memory_space<hbm>>) target(%dma_start3A_200 : memref<125x64xf32, #tpu.memory_space<vmem_shared>>) target_semaphore(%run_scoped3A_198 : memref<!tpu.dma_semaphore, #tpu.memory_space<semaphore_mem>>)
      %dma_wait3A_207 = arith.constant 0 : i32
      %dma_wait3A_208 = tpu.memref_slice %arg11[%add3A_36, %dma_wait3A_207] : memref<10000x64xf32, #tpu.memory_space<vmem_shared>> -> memref<125x64xf32, #tpu.memory_space<vmem_shared>>
      %dma_wait3A_209 = arith.constant 0 : i32
      %dma_wait3A_210 = arith.constant 0 : i32
      %dma_wait3A_211 = tpu.memref_slice %arg2[%arg0, %dma_wait3A_209, %dma_wait3A_210] : memref<2x10000x64xf32, #tpu.memory_space<hbm>> -> memref<1x10000x64xf32, #tpu.memory_space<hbm>>
      %dma_wait3A_212 = tpu.memref_squeeze %dma_wait3A_211 : memref<1x10000x64xf32, #tpu.memory_space<hbm>> -> memref<10000x64xf32, #tpu.memory_space<hbm>>
      %dma_wait3A_213 = arith.constant 0 : i32
      %dma_wait3A_214 = tpu.memref_slice %dma_wait3A_212[%add3A_36, %dma_wait3A_213] : memref<10000x64xf32, #tpu.memory_space<hbm>> -> memref<125x64xf32, #tpu.memory_space<hbm>>
      tpu.wait_dma2 semaphore(%run_scoped3A_198 : memref<!tpu.dma_semaphore, #tpu.memory_space<semaphore_mem>>) src(%dma_wait3A_214 : memref<125x64xf32, #tpu.memory_space<hbm>>) dst(%dma_wait3A_208 : memref<125x64xf32, #tpu.memory_space<vmem_shared>>)
      tpu.yield
    }) : () -> ()
    %mul3A_37 = arith.constant 625 : i32
    %mul3A_38 = arith.muli %arg1, %mul3A_37 : i32
    %add3A_39 = arith.constant 375 : i32
    %add3A_40 = arith.addi %mul3A_38, %add3A_39 : i32
    "tpu.region"() ({
      %run_scoped3A_198 = tpu.sem_alloc : memref<!tpu.dma_semaphore, #tpu.memory_space<semaphore_mem>>
      %dma_start3A_199 = arith.constant 0 : i32
      %dma_start3A_200 = tpu.memref_slice %arg11[%add3A_40, %dma_start3A_199] : memref<10000x64xf32, #tpu.memory_space<vmem_shared>> -> memref<125x64xf32, #tpu.memory_space<vmem_shared>>
      %dma_start3A_201 = arith.constant 0 : i32
      %dma_start3A_202 = arith.constant 0 : i32
      %dma_start3A_203 = tpu.memref_slice %arg2[%arg0, %dma_start3A_201, %dma_start3A_202] : memref<2x10000x64xf32, #tpu.memory_space<hbm>> -> memref<1x10000x64xf32, #tpu.memory_space<hbm>>
      %dma_start3A_204 = tpu.memref_squeeze %dma_start3A_203 : memref<1x10000x64xf32, #tpu.memory_space<hbm>> -> memref<10000x64xf32, #tpu.memory_space<hbm>>
      %dma_start3A_205 = arith.constant 0 : i32
      %dma_start3A_206 = tpu.memref_slice %dma_start3A_204[%add3A_40, %dma_start3A_205] : memref<10000x64xf32, #tpu.memory_space<hbm>> -> memref<125x64xf32, #tpu.memory_space<hbm>>
      tpu.enqueue_dma source(%dma_start3A_206 : memref<125x64xf32, #tpu.memory_space<hbm>>) target(%dma_start3A_200 : memref<125x64xf32, #tpu.memory_space<vmem_shared>>) target_semaphore(%run_scoped3A_198 : memref<!tpu.dma_semaphore, #tpu.memory_space<semaphore_mem>>)
      %dma_wait3A_207 = arith.constant 0 : i32
      %dma_wait3A_208 = tpu.memref_slice %arg11[%add3A_40, %dma_wait3A_207] : memref<10000x64xf32, #tpu.memory_space<vmem_shared>> -> memref<125x64xf32, #tpu.memory_space<vmem_shared>>
      %dma_wait3A_209 = arith.constant 0 : i32
      %dma_wait3A_210 = arith.constant 0 : i32
      %dma_wait3A_211 = tpu.memref_slice %arg2[%arg0, %dma_wait3A_209, %dma_wait3A_210] : memref<2x10000x64xf32, #tpu.memory_space<hbm>> -> memref<1x10000x64xf32, #tpu.memory_space<hbm>>
      %dma_wait3A_212 = tpu.memref_squeeze %dma_wait3A_211 : memref<1x10000x64xf32, #tpu.memory_space<hbm>> -> memref<10000x64xf32, #tpu.memory_space<hbm>>
      %dma_wait3A_213 = arith.constant 0 : i32
      %dma_wait3A_214 = tpu.memref_slice %dma_wait3A_212[%add3A_40, %dma_wait3A_213] : memref<10000x64xf32, #tpu.memory_space<hbm>> -> memref<125x64xf32, #tpu.memory_space<hbm>>
      tpu.wait_dma2 semaphore(%run_scoped3A_198 : memref<!tpu.dma_semaphore, #tpu.memory_space<semaphore_mem>>) src(%dma_wait3A_214 : memref<125x64xf32, #tpu.memory_space<hbm>>) dst(%dma_wait3A_208 : memref<125x64xf32, #tpu.memory_space<vmem_shared>>)
      tpu.yield
    }) : () -> ()
    %mul3A_41 = arith.constant 625 : i32
    %mul3A_42 = arith.muli %arg1, %mul3A_41 : i32
    %add3A_43 = arith.constant 500 : i32
    %add3A_44 = arith.addi %mul3A_42, %add3A_43 : i32
    "tpu.region"() ({
      %run_scoped3A_198 = tpu.sem_alloc : memref<!tpu.dma_semaphore, #tpu.memory_space<semaphore_mem>>
      %dma_start3A_199 = arith.constant 0 : i32
      %dma_start3A_200 = tpu.memref_slice %arg11[%add3A_44, %dma_start3A_199] : memref<10000x64xf32, #tpu.memory_space<vmem_shared>> -> memref<125x64xf32, #tpu.memory_space<vmem_shared>>
      %dma_start3A_201 = arith.constant 0 : i32
      %dma_start3A_202 = arith.constant 0 : i32
      %dma_start3A_203 = tpu.memref_slice %arg2[%arg0, %dma_start3A_201, %dma_start3A_202] : memref<2x10000x64xf32, #tpu.memory_space<hbm>> -> memref<1x10000x64xf32, #tpu.memory_space<hbm>>
      %dma_start3A_204 = tpu.memref_squeeze %dma_start3A_203 : memref<1x10000x64xf32, #tpu.memory_space<hbm>> -> memref<10000x64xf32, #tpu.memory_space<hbm>>
      %dma_start3A_205 = arith.constant 0 : i32
      %dma_start3A_206 = tpu.memref_slice %dma_start3A_204[%add3A_44, %dma_start3A_205] : memref<10000x64xf32, #tpu.memory_space<hbm>> -> memref<125x64xf32, #tpu.memory_space<hbm>>
      tpu.enqueue_dma source(%dma_start3A_206 : memref<125x64xf32, #tpu.memory_space<hbm>>) target(%dma_start3A_200 : memref<125x64xf32, #tpu.memory_space<vmem_shared>>) target_semaphore(%run_scoped3A_198 : memref<!tpu.dma_semaphore, #tpu.memory_space<semaphore_mem>>)
      %dma_wait3A_207 = arith.constant 0 : i32
      %dma_wait3A_208 = tpu.memref_slice %arg11[%add3A_44, %dma_wait3A_207] : memref<10000x64xf32, #tpu.memory_space<vmem_shared>> -> memref<125x64xf32, #tpu.memory_space<vmem_shared>>
      %dma_wait3A_209 = arith.constant 0 : i32
      %dma_wait3A_210 = arith.constant 0 : i32
      %dma_wait3A_211 = tpu.memref_slice %arg2[%arg0, %dma_wait3A_209, %dma_wait3A_210] : memref<2x10000x64xf32, #tpu.memory_space<hbm>> -> memref<1x10000x64xf32, #tpu.memory_space<hbm>>
      %dma_wait3A_212 = tpu.memref_squeeze %dma_wait3A_211 : memref<1x10000x64xf32, #tpu.memory_space<hbm>> -> memref<10000x64xf32, #tpu.memory_space<hbm>>
      %dma_wait3A_213 = arith.constant 0 : i32
      %dma_wait3A_214 = tpu.memref_slice %dma_wait3A_212[%add3A_44, %dma_wait3A_213] : memref<10000x64xf32, #tpu.memory_space<hbm>> -> memref<125x64xf32, #tpu.memory_space<hbm>>
      tpu.wait_dma2 semaphore(%run_scoped3A_198 : memref<!tpu.dma_semaphore, #tpu.memory_space<semaphore_mem>>) src(%dma_wait3A_214 : memref<125x64xf32, #tpu.memory_space<hbm>>) dst(%dma_wait3A_208 : memref<125x64xf32, #tpu.memory_space<vmem_shared>>)
      tpu.yield
    }) : () -> ()
    %barrier3A = arith.constant 0 : index
    tpu.barrier barrier_id(%barrier3A)
    %dma_start3A = arith.constant 0 : i32
    %dma_start3A_45 = arith.constant 0 : i32
    %dma_start3A_46 = arith.constant 0 : i32
    %dma_start3A_47 = arith.constant 0 : i32
    %dma_start3A_48 = tpu.memref_slice %arg9[%dma_start3A_45, %dma_start3A_46, %dma_start3A_47] : memref<5x128x64xf32, #tpu.memory_space<vmem>> -> memref<1x128x64xf32, #tpu.memory_space<vmem>>
    %dma_start3A_49 = tpu.memref_squeeze %dma_start3A_48 : memref<1x128x64xf32, #tpu.memory_space<vmem>> -> memref<128x64xf32, #tpu.memory_space<vmem>>
    %dma_start3A_50 = arith.constant 0 : i32
    %dma_start3A_51 = tpu.memref_slice %arg7[%dma_start3A, %dma_start3A_50] : memref<10x128xi32, #tpu.memory_space<vmem>> -> memref<1x128xi32, #tpu.memory_space<vmem>>
    %dma_start3A_52 = tpu.memref_squeeze %dma_start3A_51 : memref<1x128xi32, #tpu.memory_space<vmem>> -> memref<128xi32, #tpu.memory_space<vmem>>
    %dma_start3A_53 = arith.constant 0 : i32
    %dma_start3A_54 = arith.constant 0 : i32
    %dma_start3A_55 = tpu.memref_slice %arg11[%dma_start3A_53, %dma_start3A_54] : memref<10000x64xf32, #tpu.memory_space<vmem_shared>> -> memref<10000x64xf32, #tpu.memory_space<vmem_shared>>
    tpu.enqueue_indirect_dma source(%dma_start3A_55 : memref<10000x64xf32, #tpu.memory_space<vmem_shared>>) target(%dma_start3A_49 : memref<128x64xf32, #tpu.memory_space<vmem>>) offsets(%dma_start3A_52 : memref<128xi32, #tpu.memory_space<vmem>>) semaphore(%arg12 : memref<!tpu.dma_semaphore, #tpu.memory_space<semaphore_mem>>)
    %dma_start3A_56 = arith.constant 1 : i32
    %dma_start3A_57 = arith.constant 1 : i32
    %dma_start3A_58 = arith.constant 0 : i32
    %dma_start3A_59 = arith.constant 0 : i32
    %dma_start3A_60 = tpu.memref_slice %arg9[%dma_start3A_57, %dma_start3A_58, %dma_start3A_59] : memref<5x128x64xf32, #tpu.memory_space<vmem>> -> memref<1x128x64xf32, #tpu.memory_space<vmem>>
    %dma_start3A_61 = tpu.memref_squeeze %dma_start3A_60 : memref<1x128x64xf32, #tpu.memory_space<vmem>> -> memref<128x64xf32, #tpu.memory_space<vmem>>
    %dma_start3A_62 = arith.constant 0 : i32
    %dma_start3A_63 = tpu.memref_slice %arg7[%dma_start3A_56, %dma_start3A_62] : memref<10x128xi32, #tpu.memory_space<vmem>> -> memref<1x128xi32, #tpu.memory_space<vmem>>
    %dma_start3A_64 = tpu.memref_squeeze %dma_start3A_63 : memref<1x128xi32, #tpu.memory_space<vmem>> -> memref<128xi32, #tpu.memory_space<vmem>>
    %dma_start3A_65 = arith.constant 0 : i32
    %dma_start3A_66 = arith.constant 0 : i32
    %dma_start3A_67 = tpu.memref_slice %arg11[%dma_start3A_65, %dma_start3A_66] : memref<10000x64xf32, #tpu.memory_space<vmem_shared>> -> memref<10000x64xf32, #tpu.memory_space<vmem_shared>>
    tpu.enqueue_indirect_dma source(%dma_start3A_67 : memref<10000x64xf32, #tpu.memory_space<vmem_shared>>) target(%dma_start3A_61 : memref<128x64xf32, #tpu.memory_space<vmem>>) offsets(%dma_start3A_64 : memref<128xi32, #tpu.memory_space<vmem>>) semaphore(%arg13 : memref<!tpu.dma_semaphore, #tpu.memory_space<semaphore_mem>>)
    %dma_start3A_68 = arith.constant 2 : i32
    %dma_start3A_69 = arith.constant 2 : i32
    %dma_start3A_70 = arith.constant 0 : i32
    %dma_start3A_71 = arith.constant 0 : i32
    %dma_start3A_72 = tpu.memref_slice %arg9[%dma_start3A_69, %dma_start3A_70, %dma_start3A_71] : memref<5x128x64xf32, #tpu.memory_space<vmem>> -> memref<1x128x64xf32, #tpu.memory_space<vmem>>
    %dma_start3A_73 = tpu.memref_squeeze %dma_start3A_72 : memref<1x128x64xf32, #tpu.memory_space<vmem>> -> memref<128x64xf32, #tpu.memory_space<vmem>>
    %dma_start3A_74 = arith.constant 0 : i32
    %dma_start3A_75 = tpu.memref_slice %arg7[%dma_start3A_68, %dma_start3A_74] : memref<10x128xi32, #tpu.memory_space<vmem>> -> memref<1x128xi32, #tpu.memory_space<vmem>>
    %dma_start3A_76 = tpu.memref_squeeze %dma_start3A_75 : memref<1x128xi32, #tpu.memory_space<vmem>> -> memref<128xi32, #tpu.memory_space<vmem>>
    %dma_start3A_77 = arith.constant 0 : i32
    %dma_start3A_78 = arith.constant 0 : i32
    %dma_start3A_79 = tpu.memref_slice %arg11[%dma_start3A_77, %dma_start3A_78] : memref<10000x64xf32, #tpu.memory_space<vmem_shared>> -> memref<10000x64xf32, #tpu.memory_space<vmem_shared>>
    tpu.enqueue_indirect_dma source(%dma_start3A_79 : memref<10000x64xf32, #tpu.memory_space<vmem_shared>>) target(%dma_start3A_73 : memref<128x64xf32, #tpu.memory_space<vmem>>) offsets(%dma_start3A_76 : memref<128xi32, #tpu.memory_space<vmem>>) semaphore(%arg14 : memref<!tpu.dma_semaphore, #tpu.memory_space<semaphore_mem>>)
    %dma_start3A_80 = arith.constant 3 : i32
    %dma_start3A_81 = arith.constant 3 : i32
    %dma_start3A_82 = arith.constant 0 : i32
    %dma_start3A_83 = arith.constant 0 : i32
    %dma_start3A_84 = tpu.memref_slice %arg9[%dma_start3A_81, %dma_start3A_82, %dma_start3A_83] : memref<5x128x64xf32, #tpu.memory_space<vmem>> -> memref<1x128x64xf32, #tpu.memory_space<vmem>>
    %dma_start3A_85 = tpu.memref_squeeze %dma_start3A_84 : memref<1x128x64xf32, #tpu.memory_space<vmem>> -> memref<128x64xf32, #tpu.memory_space<vmem>>
    %dma_start3A_86 = arith.constant 0 : i32
    %dma_start3A_87 = tpu.memref_slice %arg7[%dma_start3A_80, %dma_start3A_86] : memref<10x128xi32, #tpu.memory_space<vmem>> -> memref<1x128xi32, #tpu.memory_space<vmem>>
    %dma_start3A_88 = tpu.memref_squeeze %dma_start3A_87 : memref<1x128xi32, #tpu.memory_space<vmem>> -> memref<128xi32, #tpu.memory_space<vmem>>
    %dma_start3A_89 = arith.constant 0 : i32
    %dma_start3A_90 = arith.constant 0 : i32
    %dma_start3A_91 = tpu.memref_slice %arg11[%dma_start3A_89, %dma_start3A_90] : memref<10000x64xf32, #tpu.memory_space<vmem_shared>> -> memref<10000x64xf32, #tpu.memory_space<vmem_shared>>
    tpu.enqueue_indirect_dma source(%dma_start3A_91 : memref<10000x64xf32, #tpu.memory_space<vmem_shared>>) target(%dma_start3A_85 : memref<128x64xf32, #tpu.memory_space<vmem>>) offsets(%dma_start3A_88 : memref<128xi32, #tpu.memory_space<vmem>>) semaphore(%arg15 : memref<!tpu.dma_semaphore, #tpu.memory_space<semaphore_mem>>)
    %dma_start3A_92 = arith.constant 4 : i32
    %dma_start3A_93 = arith.constant 4 : i32
    %dma_start3A_94 = arith.constant 0 : i32
    %dma_start3A_95 = arith.constant 0 : i32
    %dma_start3A_96 = tpu.memref_slice %arg9[%dma_start3A_93, %dma_start3A_94, %dma_start3A_95] : memref<5x128x64xf32, #tpu.memory_space<vmem>> -> memref<1x128x64xf32, #tpu.memory_space<vmem>>
    %dma_start3A_97 = tpu.memref_squeeze %dma_start3A_96 : memref<1x128x64xf32, #tpu.memory_space<vmem>> -> memref<128x64xf32, #tpu.memory_space<vmem>>
    %dma_start3A_98 = arith.constant 0 : i32
    %dma_start3A_99 = tpu.memref_slice %arg7[%dma_start3A_92, %dma_start3A_98] : memref<10x128xi32, #tpu.memory_space<vmem>> -> memref<1x128xi32, #tpu.memory_space<vmem>>
    %dma_start3A_100 = tpu.memref_squeeze %dma_start3A_99 : memref<1x128xi32, #tpu.memory_space<vmem>> -> memref<128xi32, #tpu.memory_space<vmem>>
    %dma_start3A_101 = arith.constant 0 : i32
    %dma_start3A_102 = arith.constant 0 : i32
    %dma_start3A_103 = tpu.memref_slice %arg11[%dma_start3A_101, %dma_start3A_102] : memref<10000x64xf32, #tpu.memory_space<vmem_shared>> -> memref<10000x64xf32, #tpu.memory_space<vmem_shared>>
    tpu.enqueue_indirect_dma source(%dma_start3A_103 : memref<10000x64xf32, #tpu.memory_space<vmem_shared>>) target(%dma_start3A_97 : memref<128x64xf32, #tpu.memory_space<vmem>>) offsets(%dma_start3A_100 : memref<128xi32, #tpu.memory_space<vmem>>) semaphore(%arg16 : memref<!tpu.dma_semaphore, #tpu.memory_space<semaphore_mem>>)
    %scan3A = arith.constant 0 : i32
    %scan3A_104 = arith.constant 0 : i32
    %scan3A_105 = arith.constant 32 : i32
    %scan3A_106 = arith.addi %scan3A_104, %scan3A_105 : i32
    %scan3A_107 = arith.constant 1 : i32
    scf.for %scan3A_198 = %scan3A_104 to %scan3A_106 step %scan3A_107  : i32 {
      %rem3A = arith.constant 2 : i32
      %rem3A_199 = arith.remsi %scan3A_198, %rem3A : i32
      %sub3A = arith.constant 1 : i32
      %sub3A_200 = arith.subi %sub3A, %rem3A_199 : i32
      %add3A_201 = arith.constant 1 : i32
      %add3A_202 = arith.addi %scan3A_198, %add3A_201 : i32
      %rem3A_203 = arith.constant 32 : i32
      %rem3A_204 = arith.remsi %add3A_202, %rem3A_203 : i32
      %mul3A_205 = arith.constant 5 : i32
      %mul3A_206 = arith.muli %rem3A_204, %mul3A_205 : i32
      %add3A_207 = arith.addi %mul3A_0, %mul3A_206 : i32
      %mul3A_208 = arith.constant 5 : i32
      %mul3A_209 = arith.muli %sub3A_200, %mul3A_208 : i32
      %dma_start3A_210 = arith.constant 0 : i32
      %dma_start3A_211 = tpu.memref_slice %arg7[%mul3A_209, %dma_start3A_210] : memref<10x128xi32, #tpu.memory_space<vmem>> -> memref<5x128xi32, #tpu.memory_space<vmem>>
      %dma_start3A_212 = arith.constant 0 : i32
      %dma_start3A_213 = tpu.memref_slice %arg3[%add3A_207, %dma_start3A_212] : memref<2560x128xi32, #tpu.memory_space<hbm>> -> memref<5x128xi32, #tpu.memory_space<hbm>>
      %dma_start3A_214 = arith.constant 0 : i32
      %dma_start3A_215 = tpu.memref_slice %arg7[%mul3A_209, %dma_start3A_214] : memref<10x128xi32, #tpu.memory_space<vmem>> -> memref<5x128xi32, #tpu.memory_space<vmem>>
      %dma_start3A_216 = arith.constant 0 : i32
      %dma_start3A_217 = tpu.memref_slice %arg3[%add3A_207, %dma_start3A_216] : memref<2560x128xi32, #tpu.memory_space<hbm>> -> memref<5x128xi32, #tpu.memory_space<hbm>>
      tpu.enqueue_dma source(%dma_start3A_217 : memref<5x128xi32, #tpu.memory_space<hbm>>) target(%dma_start3A_215 : memref<5x128xi32, #tpu.memory_space<vmem>>) target_semaphore(%arg22 : memref<!tpu.dma_semaphore, #tpu.memory_space<semaphore_mem>>)
      %mul3A_218 = arith.constant 5 : i32
      %mul3A_219 = arith.muli %rem3A_204, %mul3A_218 : i32
      %add3A_220 = arith.addi %mul3A_0, %mul3A_219 : i32
      %mul3A_221 = arith.constant 5 : i32
      %mul3A_222 = arith.muli %sub3A_200, %mul3A_221 : i32
      %dma_start3A_223 = arith.constant 0 : i32
      %dma_start3A_224 = tpu.memref_slice %arg8[%mul3A_222, %dma_start3A_223] : memref<10x128xi32, #tpu.memory_space<vmem>> -> memref<5x128xi32, #tpu.memory_space<vmem>>
      %dma_start3A_225 = arith.constant 0 : i32
      %dma_start3A_226 = tpu.memref_slice %arg4[%add3A_220, %dma_start3A_225] : memref<2560x128xi32, #tpu.memory_space<hbm>> -> memref<5x128xi32, #tpu.memory_space<hbm>>
      %dma_start3A_227 = arith.constant 0 : i32
      %dma_start3A_228 = tpu.memref_slice %arg8[%mul3A_222, %dma_start3A_227] : memref<10x128xi32, #tpu.memory_space<vmem>> -> memref<5x128xi32, #tpu.memory_space<vmem>>
      %dma_start3A_229 = arith.constant 0 : i32
      %dma_start3A_230 = tpu.memref_slice %arg4[%add3A_220, %dma_start3A_229] : memref<2560x128xi32, #tpu.memory_space<hbm>> -> memref<5x128xi32, #tpu.memory_space<hbm>>
      tpu.enqueue_dma source(%dma_start3A_230 : memref<5x128xi32, #tpu.memory_space<hbm>>) target(%dma_start3A_228 : memref<5x128xi32, #tpu.memory_space<vmem>>) target_semaphore(%arg22 : memref<!tpu.dma_semaphore, #tpu.memory_space<semaphore_mem>>)
      %dma_wait3A_231 = arith.constant 0 : i32
      %dma_wait3A_232 = arith.constant 0 : i32
      %dma_wait3A_233 = arith.constant 0 : i32
      %dma_wait3A_234 = tpu.memref_slice %arg9[%dma_wait3A_231, %dma_wait3A_232, %dma_wait3A_233] : memref<5x128x64xf32, #tpu.memory_space<vmem>> -> memref<1x128x64xf32, #tpu.memory_space<vmem>>
      %dma_wait3A_235 = tpu.memref_squeeze %dma_wait3A_234 : memref<1x128x64xf32, #tpu.memory_space<vmem>> -> memref<128x64xf32, #tpu.memory_space<vmem>>
      %dma_wait3A_236 = arith.constant 0 : i32
      %dma_wait3A_237 = arith.constant 0 : i32
      %dma_wait3A_238 = tpu.memref_slice %arg5[%arg0, %dma_wait3A_236, %dma_wait3A_237] : memref<2x128x64xf32, #tpu.memory_space<hbm>> -> memref<1x128x64xf32, #tpu.memory_space<hbm>>
      %dma_wait3A_239 = tpu.memref_squeeze %dma_wait3A_238 : memref<1x128x64xf32, #tpu.memory_space<hbm>> -> memref<128x64xf32, #tpu.memory_space<hbm>>
      %dma_wait3A_240 = arith.constant 0 : i32
      %dma_wait3A_241 = arith.constant 0 : i32
      %dma_wait3A_242 = tpu.memref_slice %arg9[%dma_wait3A_231, %dma_wait3A_240, %dma_wait3A_241] : memref<5x128x64xf32, #tpu.memory_space<vmem>> -> memref<1x128x64xf32, #tpu.memory_space<vmem>>
      %dma_wait3A_243 = tpu.memref_squeeze %dma_wait3A_242 : memref<1x128x64xf32, #tpu.memory_space<vmem>> -> memref<128x64xf32, #tpu.memory_space<vmem>>
      %dma_wait3A_244 = arith.constant 0 : i32
      %dma_wait3A_245 = arith.constant 0 : i32
      %dma_wait3A_246 = tpu.memref_slice %arg5[%arg0, %dma_wait3A_244, %dma_wait3A_245] : memref<2x128x64xf32, #tpu.memory_space<hbm>> -> memref<1x128x64xf32, #tpu.memory_space<hbm>>
      %dma_wait3A_247 = tpu.memref_squeeze %dma_wait3A_246 : memref<1x128x64xf32, #tpu.memory_space<hbm>> -> memref<128x64xf32, #tpu.memory_space<hbm>>
      tpu.wait_dma2 semaphore(%arg12 : memref<!tpu.dma_semaphore, #tpu.memory_space<semaphore_mem>>) src(%dma_wait3A_247 : memref<128x64xf32, #tpu.memory_space<hbm>>) dst(%dma_wait3A_243 : memref<128x64xf32, #tpu.memory_space<vmem>>)
      %mul3A_248 = arith.constant 5 : i32
      %mul3A_249 = arith.muli %rem3A_199, %mul3A_248 : i32
      %add3A_250 = arith.constant 0 : i32
      %add3A_251 = arith.addi %mul3A_249, %add3A_250 : i32
      %dma_start3A_252 = arith.constant 0 : i32
      %dma_start3A_253 = arith.constant 0 : i32
      %dma_start3A_254 = arith.constant 0 : i32
      %dma_start3A_255 = tpu.memref_slice %arg9[%dma_start3A_252, %dma_start3A_253, %dma_start3A_254] : memref<5x128x64xf32, #tpu.memory_space<vmem>> -> memref<1x128x64xf32, #tpu.memory_space<vmem>>
      %dma_start3A_256 = tpu.memref_squeeze %dma_start3A_255 : memref<1x128x64xf32, #tpu.memory_space<vmem>> -> memref<128x64xf32, #tpu.memory_space<vmem>>
      %dma_start3A_257 = arith.constant 0 : i32
      %dma_start3A_258 = tpu.memref_slice %arg8[%add3A_251, %dma_start3A_257] : memref<10x128xi32, #tpu.memory_space<vmem>> -> memref<1x128xi32, #tpu.memory_space<vmem>>
      %dma_start3A_259 = tpu.memref_squeeze %dma_start3A_258 : memref<1x128xi32, #tpu.memory_space<vmem>> -> memref<128xi32, #tpu.memory_space<vmem>>
      %dma_start3A_260 = arith.constant 0 : i32
      %dma_start3A_261 = arith.constant 0 : i32
      %dma_start3A_262 = tpu.memref_slice %arg10[%dma_start3A_260, %dma_start3A_261] : memref<10240x64xf32, #tpu.memory_space<vmem_shared>> -> memref<10240x64xf32, #tpu.memory_space<vmem_shared>>
      tpu.enqueue_indirect_dma source(%dma_start3A_256 : memref<128x64xf32, #tpu.memory_space<vmem>>) target(%dma_start3A_262 : memref<10240x64xf32, #tpu.memory_space<vmem_shared>>) offsets(%dma_start3A_259 : memref<128xi32, #tpu.memory_space<vmem>>) semaphore(%arg17 : memref<!tpu.dma_semaphore, #tpu.memory_space<semaphore_mem>>) {add = true}
      %dma_wait3A_263 = arith.constant 1 : i32
      %dma_wait3A_264 = arith.constant 0 : i32
      %dma_wait3A_265 = arith.constant 0 : i32
      %dma_wait3A_266 = tpu.memref_slice %arg9[%dma_wait3A_263, %dma_wait3A_264, %dma_wait3A_265] : memref<5x128x64xf32, #tpu.memory_space<vmem>> -> memref<1x128x64xf32, #tpu.memory_space<vmem>>
      %dma_wait3A_267 = tpu.memref_squeeze %dma_wait3A_266 : memref<1x128x64xf32, #tpu.memory_space<vmem>> -> memref<128x64xf32, #tpu.memory_space<vmem>>
      %dma_wait3A_268 = arith.constant 0 : i32
      %dma_wait3A_269 = arith.constant 0 : i32
      %dma_wait3A_270 = tpu.memref_slice %arg5[%arg0, %dma_wait3A_268, %dma_wait3A_269] : memref<2x128x64xf32, #tpu.memory_space<hbm>> -> memref<1x128x64xf32, #tpu.memory_space<hbm>>
      %dma_wait3A_271 = tpu.memref_squeeze %dma_wait3A_270 : memref<1x128x64xf32, #tpu.memory_space<hbm>> -> memref<128x64xf32, #tpu.memory_space<hbm>>
      %dma_wait3A_272 = arith.constant 0 : i32
      %dma_wait3A_273 = arith.constant 0 : i32
      %dma_wait3A_274 = tpu.memref_slice %arg9[%dma_wait3A_263, %dma_wait3A_272, %dma_wait3A_273] : memref<5x128x64xf32, #tpu.memory_space<vmem>> -> memref<1x128x64xf32, #tpu.memory_space<vmem>>
      %dma_wait3A_275 = tpu.memref_squeeze %dma_wait3A_274 : memref<1x128x64xf32, #tpu.memory_space<vmem>> -> memref<128x64xf32, #tpu.memory_space<vmem>>
      %dma_wait3A_276 = arith.constant 0 : i32
      %dma_wait3A_277 = arith.constant 0 : i32
      %dma_wait3A_278 = tpu.memref_slice %arg5[%arg0, %dma_wait3A_276, %dma_wait3A_277] : memref<2x128x64xf32, #tpu.memory_space<hbm>> -> memref<1x128x64xf32, #tpu.memory_space<hbm>>
      %dma_wait3A_279 = tpu.memref_squeeze %dma_wait3A_278 : memref<1x128x64xf32, #tpu.memory_space<hbm>> -> memref<128x64xf32, #tpu.memory_space<hbm>>
      tpu.wait_dma2 semaphore(%arg13 : memref<!tpu.dma_semaphore, #tpu.memory_space<semaphore_mem>>) src(%dma_wait3A_279 : memref<128x64xf32, #tpu.memory_space<hbm>>) dst(%dma_wait3A_275 : memref<128x64xf32, #tpu.memory_space<vmem>>)
      %mul3A_280 = arith.constant 5 : i32
      %mul3A_281 = arith.muli %rem3A_199, %mul3A_280 : i32
      %add3A_282 = arith.constant 1 : i32
      %add3A_283 = arith.addi %mul3A_281, %add3A_282 : i32
      %dma_start3A_284 = arith.constant 1 : i32
      %dma_start3A_285 = arith.constant 0 : i32
      %dma_start3A_286 = arith.constant 0 : i32
      %dma_start3A_287 = tpu.memref_slice %arg9[%dma_start3A_284, %dma_start3A_285, %dma_start3A_286] : memref<5x128x64xf32, #tpu.memory_space<vmem>> -> memref<1x128x64xf32, #tpu.memory_space<vmem>>
      %dma_start3A_288 = tpu.memref_squeeze %dma_start3A_287 : memref<1x128x64xf32, #tpu.memory_space<vmem>> -> memref<128x64xf32, #tpu.memory_space<vmem>>
      %dma_start3A_289 = arith.constant 0 : i32
      %dma_start3A_290 = tpu.memref_slice %arg8[%add3A_283, %dma_start3A_289] : memref<10x128xi32, #tpu.memory_space<vmem>> -> memref<1x128xi32, #tpu.memory_space<vmem>>
      %dma_start3A_291 = tpu.memref_squeeze %dma_start3A_290 : memref<1x128xi32, #tpu.memory_space<vmem>> -> memref<128xi32, #tpu.memory_space<vmem>>
      %dma_start3A_292 = arith.constant 0 : i32
      %dma_start3A_293 = arith.constant 0 : i32
      %dma_start3A_294 = tpu.memref_slice %arg10[%dma_start3A_292, %dma_start3A_293] : memref<10240x64xf32, #tpu.memory_space<vmem_shared>> -> memref<10240x64xf32, #tpu.memory_space<vmem_shared>>
      tpu.enqueue_indirect_dma source(%dma_start3A_288 : memref<128x64xf32, #tpu.memory_space<vmem>>) target(%dma_start3A_294 : memref<10240x64xf32, #tpu.memory_space<vmem_shared>>) offsets(%dma_start3A_291 : memref<128xi32, #tpu.memory_space<vmem>>) semaphore(%arg18 : memref<!tpu.dma_semaphore, #tpu.memory_space<semaphore_mem>>) {add = true}
      %dma_wait3A_295 = arith.constant 0 : i32
      %dma_wait3A_296 = arith.constant 0 : i32
      %dma_wait3A_297 = tpu.memref_slice %arg7[%dma_wait3A_295, %dma_wait3A_296] : memref<10x128xi32, #tpu.memory_space<vmem>> -> memref<5x128xi32, #tpu.memory_space<vmem>>
      %dma_wait3A_298 = arith.constant 0 : i32
      %dma_wait3A_299 = arith.constant 0 : i32
      %dma_wait3A_300 = tpu.memref_slice %arg3[%dma_wait3A_298, %dma_wait3A_299] : memref<2560x128xi32, #tpu.memory_space<hbm>> -> memref<5x128xi32, #tpu.memory_space<hbm>>
      %dma_wait3A_301 = arith.constant 0 : i32
      %dma_wait3A_302 = arith.constant 0 : i32
      %dma_wait3A_303 = tpu.memref_slice %arg7[%dma_wait3A_301, %dma_wait3A_302] : memref<10x128xi32, #tpu.memory_space<vmem>> -> memref<5x128xi32, #tpu.memory_space<vmem>>
      %dma_wait3A_304 = arith.constant 0 : i32
      %dma_wait3A_305 = arith.constant 0 : i32
      %dma_wait3A_306 = tpu.memref_slice %arg3[%dma_wait3A_304, %dma_wait3A_305] : memref<2560x128xi32, #tpu.memory_space<hbm>> -> memref<5x128xi32, #tpu.memory_space<hbm>>
      tpu.wait_dma2 semaphore(%arg22 : memref<!tpu.dma_semaphore, #tpu.memory_space<semaphore_mem>>) src(%dma_wait3A_306 : memref<5x128xi32, #tpu.memory_space<hbm>>) dst(%dma_wait3A_303 : memref<5x128xi32, #tpu.memory_space<vmem>>)
      %dma_wait3A_307 = arith.constant 0 : i32
      %dma_wait3A_308 = arith.constant 0 : i32
      %dma_wait3A_309 = tpu.memref_slice %arg8[%dma_wait3A_307, %dma_wait3A_308] : memref<10x128xi32, #tpu.memory_space<vmem>> -> memref<5x128xi32, #tpu.memory_space<vmem>>
      %dma_wait3A_310 = arith.constant 0 : i32
      %dma_wait3A_311 = arith.constant 0 : i32
      %dma_wait3A_312 = tpu.memref_slice %arg4[%dma_wait3A_310, %dma_wait3A_311] : memref<2560x128xi32, #tpu.memory_space<hbm>> -> memref<5x128xi32, #tpu.memory_space<hbm>>
      %dma_wait3A_313 = arith.constant 0 : i32
      %dma_wait3A_314 = arith.constant 0 : i32
      %dma_wait3A_315 = tpu.memref_slice %arg8[%dma_wait3A_313, %dma_wait3A_314] : memref<10x128xi32, #tpu.memory_space<vmem>> -> memref<5x128xi32, #tpu.memory_space<vmem>>
      %dma_wait3A_316 = arith.constant 0 : i32
      %dma_wait3A_317 = arith.constant 0 : i32
      %dma_wait3A_318 = tpu.memref_slice %arg4[%dma_wait3A_316, %dma_wait3A_317] : memref<2560x128xi32, #tpu.memory_space<hbm>> -> memref<5x128xi32, #tpu.memory_space<hbm>>
      tpu.wait_dma2 semaphore(%arg22 : memref<!tpu.dma_semaphore, #tpu.memory_space<semaphore_mem>>) src(%dma_wait3A_318 : memref<5x128xi32, #tpu.memory_space<hbm>>) dst(%dma_wait3A_315 : memref<5x128xi32, #tpu.memory_space<vmem>>)
      %dma_wait3A_319 = arith.constant 0 : i32
      %dma_wait3A_320 = arith.constant 0 : i32
      %dma_wait3A_321 = arith.constant 0 : i32
      %dma_wait3A_322 = tpu.memref_slice %arg9[%dma_wait3A_319, %dma_wait3A_320, %dma_wait3A_321] : memref<5x128x64xf32, #tpu.memory_space<vmem>> -> memref<1x128x64xf32, #tpu.memory_space<vmem>>
      %dma_wait3A_323 = tpu.memref_squeeze %dma_wait3A_322 : memref<1x128x64xf32, #tpu.memory_space<vmem>> -> memref<128x64xf32, #tpu.memory_space<vmem>>
      %dma_wait3A_324 = arith.constant 0 : i32
      %dma_wait3A_325 = arith.constant 0 : i32
      %dma_wait3A_326 = tpu.memref_slice %arg10[%dma_wait3A_324, %dma_wait3A_325] : memref<10240x64xf32, #tpu.memory_space<vmem_shared>> -> memref<128x64xf32, #tpu.memory_space<vmem_shared>>
      %dma_wait3A_327 = arith.constant 0 : i32
      %dma_wait3A_328 = arith.constant 0 : i32
      %dma_wait3A_329 = tpu.memref_slice %arg10[%dma_wait3A_327, %dma_wait3A_328] : memref<10240x64xf32, #tpu.memory_space<vmem_shared>> -> memref<128x64xf32, #tpu.memory_space<vmem_shared>>
      %dma_wait3A_330 = arith.constant 0 : i32
      %dma_wait3A_331 = arith.constant 0 : i32
      %dma_wait3A_332 = tpu.memref_slice %arg9[%dma_wait3A_319, %dma_wait3A_330, %dma_wait3A_331] : memref<5x128x64xf32, #tpu.memory_space<vmem>> -> memref<1x128x64xf32, #tpu.memory_space<vmem>>
      %dma_wait3A_333 = tpu.memref_squeeze %dma_wait3A_332 : memref<1x128x64xf32, #tpu.memory_space<vmem>> -> memref<128x64xf32, #tpu.memory_space<vmem>>
      tpu.wait_dma2 semaphore(%arg17 : memref<!tpu.dma_semaphore, #tpu.memory_space<semaphore_mem>>) src(%dma_wait3A_333 : memref<128x64xf32, #tpu.memory_space<vmem>>) dst(%dma_wait3A_329 : memref<128x64xf32, #tpu.memory_space<vmem_shared>>)
      %mul3A_334 = arith.constant 5 : i32
      %mul3A_335 = arith.muli %sub3A_200, %mul3A_334 : i32
      %add3A_336 = arith.constant 0 : i32
      %add3A_337 = arith.addi %mul3A_335, %add3A_336 : i32
      %dma_start3A_338 = arith.constant 0 : i32
      %dma_start3A_339 = arith.constant 0 : i32
      %dma_start3A_340 = arith.constant 0 : i32
      %dma_start3A_341 = tpu.memref_slice %arg9[%dma_start3A_338, %dma_start3A_339, %dma_start3A_340] : memref<5x128x64xf32, #tpu.memory_space<vmem>> -> memref<1x128x64xf32, #tpu.memory_space<vmem>>
      %dma_start3A_342 = tpu.memref_squeeze %dma_start3A_341 : memref<1x128x64xf32, #tpu.memory_space<vmem>> -> memref<128x64xf32, #tpu.memory_space<vmem>>
      %dma_start3A_343 = arith.constant 0 : i32
      %dma_start3A_344 = tpu.memref_slice %arg7[%add3A_337, %dma_start3A_343] : memref<10x128xi32, #tpu.memory_space<vmem>> -> memref<1x128xi32, #tpu.memory_space<vmem>>
      %dma_start3A_345 = tpu.memref_squeeze %dma_start3A_344 : memref<1x128xi32, #tpu.memory_space<vmem>> -> memref<128xi32, #tpu.memory_space<vmem>>
      %dma_start3A_346 = arith.constant 0 : i32
      %dma_start3A_347 = arith.constant 0 : i32
      %dma_start3A_348 = tpu.memref_slice %arg11[%dma_start3A_346, %dma_start3A_347] : memref<10000x64xf32, #tpu.memory_space<vmem_shared>> -> memref<10000x64xf32, #tpu.memory_space<vmem_shared>>
      tpu.enqueue_indirect_dma source(%dma_start3A_348 : memref<10000x64xf32, #tpu.memory_space<vmem_shared>>) target(%dma_start3A_342 : memref<128x64xf32, #tpu.memory_space<vmem>>) offsets(%dma_start3A_345 : memref<128xi32, #tpu.memory_space<vmem>>) semaphore(%arg12 : memref<!tpu.dma_semaphore, #tpu.memory_space<semaphore_mem>>)
      %dma_wait3A_349 = arith.constant 1 : i32
      %dma_wait3A_350 = arith.constant 0 : i32
      %dma_wait3A_351 = arith.constant 0 : i32
      %dma_wait3A_352 = tpu.memref_slice %arg9[%dma_wait3A_349, %dma_wait3A_350, %dma_wait3A_351] : memref<5x128x64xf32, #tpu.memory_space<vmem>> -> memref<1x128x64xf32, #tpu.memory_space<vmem>>
      %dma_wait3A_353 = tpu.memref_squeeze %dma_wait3A_352 : memref<1x128x64xf32, #tpu.memory_space<vmem>> -> memref<128x64xf32, #tpu.memory_space<vmem>>
      %dma_wait3A_354 = arith.constant 0 : i32
      %dma_wait3A_355 = arith.constant 0 : i32
      %dma_wait3A_356 = tpu.memref_slice %arg10[%dma_wait3A_354, %dma_wait3A_355] : memref<10240x64xf32, #tpu.memory_space<vmem_shared>> -> memref<128x64xf32, #tpu.memory_space<vmem_shared>>
      %dma_wait3A_357 = arith.constant 0 : i32
      %dma_wait3A_358 = arith.constant 0 : i32
      %dma_wait3A_359 = tpu.memref_slice %arg10[%dma_wait3A_357, %dma_wait3A_358] : memref<10240x64xf32, #tpu.memory_space<vmem_shared>> -> memref<128x64xf32, #tpu.memory_space<vmem_shared>>
      %dma_wait3A_360 = arith.constant 0 : i32
      %dma_wait3A_361 = arith.constant 0 : i32
      %dma_wait3A_362 = tpu.memref_slice %arg9[%dma_wait3A_349, %dma_wait3A_360, %dma_wait3A_361] : memref<5x128x64xf32, #tpu.memory_space<vmem>> -> memref<1x128x64xf32, #tpu.memory_space<vmem>>
      %dma_wait3A_363 = tpu.memref_squeeze %dma_wait3A_362 : memref<1x128x64xf32, #tpu.memory_space<vmem>> -> memref<128x64xf32, #tpu.memory_space<vmem>>
      tpu.wait_dma2 semaphore(%arg18 : memref<!tpu.dma_semaphore, #tpu.memory_space<semaphore_mem>>) src(%dma_wait3A_363 : memref<128x64xf32, #tpu.memory_space<vmem>>) dst(%dma_wait3A_359 : memref<128x64xf32, #tpu.memory_space<vmem_shared>>)
      %mul3A_364 = arith.constant 5 : i32
      %mul3A_365 = arith.muli %sub3A_200, %mul3A_364 : i32
      %add3A_366 = arith.constant 1 : i32
      %add3A_367 = arith.addi %mul3A_365, %add3A_366 : i32
      %dma_start3A_368 = arith.constant 1 : i32
      %dma_start3A_369 = arith.constant 0 : i32
      %dma_start3A_370 = arith.constant 0 : i32
      %dma_start3A_371 = tpu.memref_slice %arg9[%dma_start3A_368, %dma_start3A_369, %dma_start3A_370] : memref<5x128x64xf32, #tpu.memory_space<vmem>> -> memref<1x128x64xf32, #tpu.memory_space<vmem>>
      %dma_start3A_372 = tpu.memref_squeeze %dma_start3A_371 : memref<1x128x64xf32, #tpu.memory_space<vmem>> -> memref<128x64xf32, #tpu.memory_space<vmem>>
      %dma_start3A_373 = arith.constant 0 : i32
      %dma_start3A_374 = tpu.memref_slice %arg7[%add3A_367, %dma_start3A_373] : memref<10x128xi32, #tpu.memory_space<vmem>> -> memref<1x128xi32, #tpu.memory_space<vmem>>
      %dma_start3A_375 = tpu.memref_squeeze %dma_start3A_374 : memref<1x128xi32, #tpu.memory_space<vmem>> -> memref<128xi32, #tpu.memory_space<vmem>>
      %dma_start3A_376 = arith.constant 0 : i32
      %dma_start3A_377 = arith.constant 0 : i32
      %dma_start3A_378 = tpu.memref_slice %arg11[%dma_start3A_376, %dma_start3A_377] : memref<10000x64xf32, #tpu.memory_space<vmem_shared>> -> memref<10000x64xf32, #tpu.memory_space<vmem_shared>>
      tpu.enqueue_indirect_dma source(%dma_start3A_378 : memref<10000x64xf32, #tpu.memory_space<vmem_shared>>) target(%dma_start3A_372 : memref<128x64xf32, #tpu.memory_space<vmem>>) offsets(%dma_start3A_375 : memref<128xi32, #tpu.memory_space<vmem>>) semaphore(%arg13 : memref<!tpu.dma_semaphore, #tpu.memory_space<semaphore_mem>>)
      %dma_wait3A_379 = arith.constant 2 : i32
      %dma_wait3A_380 = arith.constant 0 : i32
      %dma_wait3A_381 = arith.constant 0 : i32
      %dma_wait3A_382 = tpu.memref_slice %arg9[%dma_wait3A_379, %dma_wait3A_380, %dma_wait3A_381] : memref<5x128x64xf32, #tpu.memory_space<vmem>> -> memref<1x128x64xf32, #tpu.memory_space<vmem>>
      %dma_wait3A_383 = tpu.memref_squeeze %dma_wait3A_382 : memref<1x128x64xf32, #tpu.memory_space<vmem>> -> memref<128x64xf32, #tpu.memory_space<vmem>>
      %dma_wait3A_384 = arith.constant 0 : i32
      %dma_wait3A_385 = arith.constant 0 : i32
      %dma_wait3A_386 = tpu.memref_slice %arg5[%arg0, %dma_wait3A_384, %dma_wait3A_385] : memref<2x128x64xf32, #tpu.memory_space<hbm>> -> memref<1x128x64xf32, #tpu.memory_space<hbm>>
      %dma_wait3A_387 = tpu.memref_squeeze %dma_wait3A_386 : memref<1x128x64xf32, #tpu.memory_space<hbm>> -> memref<128x64xf32, #tpu.memory_space<hbm>>
      %dma_wait3A_388 = arith.constant 0 : i32
      %dma_wait3A_389 = arith.constant 0 : i32
      %dma_wait3A_390 = tpu.memref_slice %arg9[%dma_wait3A_379, %dma_wait3A_388, %dma_wait3A_389] : memref<5x128x64xf32, #tpu.memory_space<vmem>> -> memref<1x128x64xf32, #tpu.memory_space<vmem>>
      %dma_wait3A_391 = tpu.memref_squeeze %dma_wait3A_390 : memref<1x128x64xf32, #tpu.memory_space<vmem>> -> memref<128x64xf32, #tpu.memory_space<vmem>>
      %dma_wait3A_392 = arith.constant 0 : i32
      %dma_wait3A_393 = arith.constant 0 : i32
      %dma_wait3A_394 = tpu.memref_slice %arg5[%arg0, %dma_wait3A_392, %dma_wait3A_393] : memref<2x128x64xf32, #tpu.memory_space<hbm>> -> memref<1x128x64xf32, #tpu.memory_space<hbm>>
      %dma_wait3A_395 = tpu.memref_squeeze %dma_wait3A_394 : memref<1x128x64xf32, #tpu.memory_space<hbm>> -> memref<128x64xf32, #tpu.memory_space<hbm>>
      tpu.wait_dma2 semaphore(%arg14 : memref<!tpu.dma_semaphore, #tpu.memory_space<semaphore_mem>>) src(%dma_wait3A_395 : memref<128x64xf32, #tpu.memory_space<hbm>>) dst(%dma_wait3A_391 : memref<128x64xf32, #tpu.memory_space<vmem>>)
      %mul3A_396 = arith.constant 5 : i32
      %mul3A_397 = arith.muli %rem3A_199, %mul3A_396 : i32
      %add3A_398 = arith.constant 2 : i32
      %add3A_399 = arith.addi %mul3A_397, %add3A_398 : i32
      %dma_start3A_400 = arith.constant 2 : i32
      %dma_start3A_401 = arith.constant 0 : i32
      %dma_start3A_402 = arith.constant 0 : i32
      %dma_start3A_403 = tpu.memref_slice %arg9[%dma_start3A_400, %dma_start3A_401, %dma_start3A_402] : memref<5x128x64xf32, #tpu.memory_space<vmem>> -> memref<1x128x64xf32, #tpu.memory_space<vmem>>
      %dma_start3A_404 = tpu.memref_squeeze %dma_start3A_403 : memref<1x128x64xf32, #tpu.memory_space<vmem>> -> memref<128x64xf32, #tpu.memory_space<vmem>>
      %dma_start3A_405 = arith.constant 0 : i32
      %dma_start3A_406 = tpu.memref_slice %arg8[%add3A_399, %dma_start3A_405] : memref<10x128xi32, #tpu.memory_space<vmem>> -> memref<1x128xi32, #tpu.memory_space<vmem>>
      %dma_start3A_407 = tpu.memref_squeeze %dma_start3A_406 : memref<1x128xi32, #tpu.memory_space<vmem>> -> memref<128xi32, #tpu.memory_space<vmem>>
      %dma_start3A_408 = arith.constant 0 : i32
      %dma_start3A_409 = arith.constant 0 : i32
      %dma_start3A_410 = tpu.memref_slice %arg10[%dma_start3A_408, %dma_start3A_409] : memref<10240x64xf32, #tpu.memory_space<vmem_shared>> -> memref<10240x64xf32, #tpu.memory_space<vmem_shared>>
      tpu.enqueue_indirect_dma source(%dma_start3A_404 : memref<128x64xf32, #tpu.memory_space<vmem>>) target(%dma_start3A_410 : memref<10240x64xf32, #tpu.memory_space<vmem_shared>>) offsets(%dma_start3A_407 : memref<128xi32, #tpu.memory_space<vmem>>) semaphore(%arg19 : memref<!tpu.dma_semaphore, #tpu.memory_space<semaphore_mem>>) {add = true}
      %dma_wait3A_411 = arith.constant 3 : i32
      %dma_wait3A_412 = arith.constant 0 : i32
      %dma_wait3A_413 = arith.constant 0 : i32
      %dma_wait3A_414 = tpu.memref_slice %arg9[%dma_wait3A_411, %dma_wait3A_412, %dma_wait3A_413] : memref<5x128x64xf32, #tpu.memory_space<vmem>> -> memref<1x128x64xf32, #tpu.memory_space<vmem>>
      %dma_wait3A_415 = tpu.memref_squeeze %dma_wait3A_414 : memref<1x128x64xf32, #tpu.memory_space<vmem>> -> memref<128x64xf32, #tpu.memory_space<vmem>>
      %dma_wait3A_416 = arith.constant 0 : i32
      %dma_wait3A_417 = arith.constant 0 : i32
      %dma_wait3A_418 = tpu.memref_slice %arg5[%arg0, %dma_wait3A_416, %dma_wait3A_417] : memref<2x128x64xf32, #tpu.memory_space<hbm>> -> memref<1x128x64xf32, #tpu.memory_space<hbm>>
      %dma_wait3A_419 = tpu.memref_squeeze %dma_wait3A_418 : memref<1x128x64xf32, #tpu.memory_space<hbm>> -> memref<128x64xf32, #tpu.memory_space<hbm>>
      %dma_wait3A_420 = arith.constant 0 : i32
      %dma_wait3A_421 = arith.constant 0 : i32
      %dma_wait3A_422 = tpu.memref_slice %arg9[%dma_wait3A_411, %dma_wait3A_420, %dma_wait3A_421] : memref<5x128x64xf32, #tpu.memory_space<vmem>> -> memref<1x128x64xf32, #tpu.memory_space<vmem>>
      %dma_wait3A_423 = tpu.memref_squeeze %dma_wait3A_422 : memref<1x128x64xf32, #tpu.memory_space<vmem>> -> memref<128x64xf32, #tpu.memory_space<vmem>>
      %dma_wait3A_424 = arith.constant 0 : i32
      %dma_wait3A_425 = arith.constant 0 : i32
      %dma_wait3A_426 = tpu.memref_slice %arg5[%arg0, %dma_wait3A_424, %dma_wait3A_425] : memref<2x128x64xf32, #tpu.memory_space<hbm>> -> memref<1x128x64xf32, #tpu.memory_space<hbm>>
      %dma_wait3A_427 = tpu.memref_squeeze %dma_wait3A_426 : memref<1x128x64xf32, #tpu.memory_space<hbm>> -> memref<128x64xf32, #tpu.memory_space<hbm>>
      tpu.wait_dma2 semaphore(%arg15 : memref<!tpu.dma_semaphore, #tpu.memory_space<semaphore_mem>>) src(%dma_wait3A_427 : memref<128x64xf32, #tpu.memory_space<hbm>>) dst(%dma_wait3A_423 : memref<128x64xf32, #tpu.memory_space<vmem>>)
      %mul3A_428 = arith.constant 5 : i32
      %mul3A_429 = arith.muli %rem3A_199, %mul3A_428 : i32
      %add3A_430 = arith.constant 3 : i32
      %add3A_431 = arith.addi %mul3A_429, %add3A_430 : i32
      %dma_start3A_432 = arith.constant 3 : i32
      %dma_start3A_433 = arith.constant 0 : i32
      %dma_start3A_434 = arith.constant 0 : i32
      %dma_start3A_435 = tpu.memref_slice %arg9[%dma_start3A_432, %dma_start3A_433, %dma_start3A_434] : memref<5x128x64xf32, #tpu.memory_space<vmem>> -> memref<1x128x64xf32, #tpu.memory_space<vmem>>
      %dma_start3A_436 = tpu.memref_squeeze %dma_start3A_435 : memref<1x128x64xf32, #tpu.memory_space<vmem>> -> memref<128x64xf32, #tpu.memory_space<vmem>>
      %dma_start3A_437 = arith.constant 0 : i32
      %dma_start3A_438 = tpu.memref_slice %arg8[%add3A_431, %dma_start3A_437] : memref<10x128xi32, #tpu.memory_space<vmem>> -> memref<1x128xi32, #tpu.memory_space<vmem>>
      %dma_start3A_439 = tpu.memref_squeeze %dma_start3A_438 : memref<1x128xi32, #tpu.memory_space<vmem>> -> memref<128xi32, #tpu.memory_space<vmem>>
      %dma_start3A_440 = arith.constant 0 : i32
      %dma_start3A_441 = arith.constant 0 : i32
      %dma_start3A_442 = tpu.memref_slice %arg10[%dma_start3A_440, %dma_start3A_441] : memref<10240x64xf32, #tpu.memory_space<vmem_shared>> -> memref<10240x64xf32, #tpu.memory_space<vmem_shared>>
      tpu.enqueue_indirect_dma source(%dma_start3A_436 : memref<128x64xf32, #tpu.memory_space<vmem>>) target(%dma_start3A_442 : memref<10240x64xf32, #tpu.memory_space<vmem_shared>>) offsets(%dma_start3A_439 : memref<128xi32, #tpu.memory_space<vmem>>) semaphore(%arg20 : memref<!tpu.dma_semaphore, #tpu.memory_space<semaphore_mem>>) {add = true}
      %dma_wait3A_443 = arith.constant 4 : i32
      %dma_wait3A_444 = arith.constant 0 : i32
      %dma_wait3A_445 = arith.constant 0 : i32
      %dma_wait3A_446 = tpu.memref_slice %arg9[%dma_wait3A_443, %dma_wait3A_444, %dma_wait3A_445] : memref<5x128x64xf32, #tpu.memory_space<vmem>> -> memref<1x128x64xf32, #tpu.memory_space<vmem>>
      %dma_wait3A_447 = tpu.memref_squeeze %dma_wait3A_446 : memref<1x128x64xf32, #tpu.memory_space<vmem>> -> memref<128x64xf32, #tpu.memory_space<vmem>>
      %dma_wait3A_448 = arith.constant 0 : i32
      %dma_wait3A_449 = arith.constant 0 : i32
      %dma_wait3A_450 = tpu.memref_slice %arg5[%arg0, %dma_wait3A_448, %dma_wait3A_449] : memref<2x128x64xf32, #tpu.memory_space<hbm>> -> memref<1x128x64xf32, #tpu.memory_space<hbm>>
      %dma_wait3A_451 = tpu.memref_squeeze %dma_wait3A_450 : memref<1x128x64xf32, #tpu.memory_space<hbm>> -> memref<128x64xf32, #tpu.memory_space<hbm>>
      %dma_wait3A_452 = arith.constant 0 : i32
      %dma_wait3A_453 = arith.constant 0 : i32
      %dma_wait3A_454 = tpu.memref_slice %arg9[%dma_wait3A_443, %dma_wait3A_452, %dma_wait3A_453] : memref<5x128x64xf32, #tpu.memory_space<vmem>> -> memref<1x128x64xf32, #tpu.memory_space<vmem>>
      %dma_wait3A_455 = tpu.memref_squeeze %dma_wait3A_454 : memref<1x128x64xf32, #tpu.memory_space<vmem>> -> memref<128x64xf32, #tpu.memory_space<vmem>>
      %dma_wait3A_456 = arith.constant 0 : i32
      %dma_wait3A_457 = arith.constant 0 : i32
      %dma_wait3A_458 = tpu.memref_slice %arg5[%arg0, %dma_wait3A_456, %dma_wait3A_457] : memref<2x128x64xf32, #tpu.memory_space<hbm>> -> memref<1x128x64xf32, #tpu.memory_space<hbm>>
      %dma_wait3A_459 = tpu.memref_squeeze %dma_wait3A_458 : memref<1x128x64xf32, #tpu.memory_space<hbm>> -> memref<128x64xf32, #tpu.memory_space<hbm>>
      tpu.wait_dma2 semaphore(%arg16 : memref<!tpu.dma_semaphore, #tpu.memory_space<semaphore_mem>>) src(%dma_wait3A_459 : memref<128x64xf32, #tpu.memory_space<hbm>>) dst(%dma_wait3A_455 : memref<128x64xf32, #tpu.memory_space<vmem>>)
      %mul3A_460 = arith.constant 5 : i32
      %mul3A_461 = arith.muli %rem3A_199, %mul3A_460 : i32
      %add3A_462 = arith.constant 4 : i32
      %add3A_463 = arith.addi %mul3A_461, %add3A_462 : i32
      %dma_start3A_464 = arith.constant 4 : i32
      %dma_start3A_465 = arith.constant 0 : i32
      %dma_start3A_466 = arith.constant 0 : i32
      %dma_start3A_467 = tpu.memref_slice %arg9[%dma_start3A_464, %dma_start3A_465, %dma_start3A_466] : memref<5x128x64xf32, #tpu.memory_space<vmem>> -> memref<1x128x64xf32, #tpu.memory_space<vmem>>
      %dma_start3A_468 = tpu.memref_squeeze %dma_start3A_467 : memref<1x128x64xf32, #tpu.memory_space<vmem>> -> memref<128x64xf32, #tpu.memory_space<vmem>>
      %dma_start3A_469 = arith.constant 0 : i32
      %dma_start3A_470 = tpu.memref_slice %arg8[%add3A_463, %dma_start3A_469] : memref<10x128xi32, #tpu.memory_space<vmem>> -> memref<1x128xi32, #tpu.memory_space<vmem>>
      %dma_start3A_471 = tpu.memref_squeeze %dma_start3A_470 : memref<1x128xi32, #tpu.memory_space<vmem>> -> memref<128xi32, #tpu.memory_space<vmem>>
      %dma_start3A_472 = arith.constant 0 : i32
      %dma_start3A_473 = arith.constant 0 : i32
      %dma_start3A_474 = tpu.memref_slice %arg10[%dma_start3A_472, %dma_start3A_473] : memref<10240x64xf32, #tpu.memory_space<vmem_shared>> -> memref<10240x64xf32, #tpu.memory_space<vmem_shared>>
      tpu.enqueue_indirect_dma source(%dma_start3A_468 : memref<128x64xf32, #tpu.memory_space<vmem>>) target(%dma_start3A_474 : memref<10240x64xf32, #tpu.memory_space<vmem_shared>>) offsets(%dma_start3A_471 : memref<128xi32, #tpu.memory_space<vmem>>) semaphore(%arg21 : memref<!tpu.dma_semaphore, #tpu.memory_space<semaphore_mem>>) {add = true}
      %dma_wait3A_475 = arith.constant 2 : i32
      %dma_wait3A_476 = arith.constant 0 : i32
      %dma_wait3A_477 = arith.constant 0 : i32
      %dma_wait3A_478 = tpu.memref_slice %arg9[%dma_wait3A_475, %dma_wait3A_476, %dma_wait3A_477] : memref<5x128x64xf32, #tpu.memory_space<vmem>> -> memref<1x128x64xf32, #tpu.memory_space<vmem>>
      %dma_wait3A_479 = tpu.memref_squeeze %dma_wait3A_478 : memref<1x128x64xf32, #tpu.memory_space<vmem>> -> memref<128x64xf32, #tpu.memory_space<vmem>>
      %dma_wait3A_480 = arith.constant 0 : i32
      %dma_wait3A_481 = arith.constant 0 : i32
      %dma_wait3A_482 = tpu.memref_slice %arg10[%dma_wait3A_480, %dma_wait3A_481] : memref<10240x64xf32, #tpu.memory_space<vmem_shared>> -> memref<128x64xf32, #tpu.memory_space<vmem_shared>>
      %dma_wait3A_483 = arith.constant 0 : i32
      %dma_wait3A_484 = arith.constant 0 : i32
      %dma_wait3A_485 = tpu.memref_slice %arg10[%dma_wait3A_483, %dma_wait3A_484] : memref<10240x64xf32, #tpu.memory_space<vmem_shared>> -> memref<128x64xf32, #tpu.memory_space<vmem_shared>>
      %dma_wait3A_486 = arith.constant 0 : i32
      %dma_wait3A_487 = arith.constant 0 : i32
      %dma_wait3A_488 = tpu.memref_slice %arg9[%dma_wait3A_475, %dma_wait3A_486, %dma_wait3A_487] : memref<5x128x64xf32, #tpu.memory_space<vmem>> -> memref<1x128x64xf32, #tpu.memory_space<vmem>>
      %dma_wait3A_489 = tpu.memref_squeeze %dma_wait3A_488 : memref<1x128x64xf32, #tpu.memory_space<vmem>> -> memref<128x64xf32, #tpu.memory_space<vmem>>
      tpu.wait_dma2 semaphore(%arg19 : memref<!tpu.dma_semaphore, #tpu.memory_space<semaphore_mem>>) src(%dma_wait3A_489 : memref<128x64xf32, #tpu.memory_space<vmem>>) dst(%dma_wait3A_485 : memref<128x64xf32, #tpu.memory_space<vmem_shared>>)
      %mul3A_490 = arith.constant 5 : i32
      %mul3A_491 = arith.muli %sub3A_200, %mul3A_490 : i32
      %add3A_492 = arith.constant 2 : i32
      %add3A_493 = arith.addi %mul3A_491, %add3A_492 : i32
      %dma_start3A_494 = arith.constant 2 : i32
      %dma_start3A_495 = arith.constant 0 : i32
      %dma_start3A_496 = arith.constant 0 : i32
      %dma_start3A_497 = tpu.memref_slice %arg9[%dma_start3A_494, %dma_start3A_495, %dma_start3A_496] : memref<5x128x64xf32, #tpu.memory_space<vmem>> -> memref<1x128x64xf32, #tpu.memory_space<vmem>>
      %dma_start3A_498 = tpu.memref_squeeze %dma_start3A_497 : memref<1x128x64xf32, #tpu.memory_space<vmem>> -> memref<128x64xf32, #tpu.memory_space<vmem>>
      %dma_start3A_499 = arith.constant 0 : i32
      %dma_start3A_500 = tpu.memref_slice %arg7[%add3A_493, %dma_start3A_499] : memref<10x128xi32, #tpu.memory_space<vmem>> -> memref<1x128xi32, #tpu.memory_space<vmem>>
      %dma_start3A_501 = tpu.memref_squeeze %dma_start3A_500 : memref<1x128xi32, #tpu.memory_space<vmem>> -> memref<128xi32, #tpu.memory_space<vmem>>
      %dma_start3A_502 = arith.constant 0 : i32
      %dma_start3A_503 = arith.constant 0 : i32
      %dma_start3A_504 = tpu.memref_slice %arg11[%dma_start3A_502, %dma_start3A_503] : memref<10000x64xf32, #tpu.memory_space<vmem_shared>> -> memref<10000x64xf32, #tpu.memory_space<vmem_shared>>
      tpu.enqueue_indirect_dma source(%dma_start3A_504 : memref<10000x64xf32, #tpu.memory_space<vmem_shared>>) target(%dma_start3A_498 : memref<128x64xf32, #tpu.memory_space<vmem>>) offsets(%dma_start3A_501 : memref<128xi32, #tpu.memory_space<vmem>>) semaphore(%arg14 : memref<!tpu.dma_semaphore, #tpu.memory_space<semaphore_mem>>)
      %dma_wait3A_505 = arith.constant 3 : i32
      %dma_wait3A_506 = arith.constant 0 : i32
      %dma_wait3A_507 = arith.constant 0 : i32
      %dma_wait3A_508 = tpu.memref_slice %arg9[%dma_wait3A_505, %dma_wait3A_506, %dma_wait3A_507] : memref<5x128x64xf32, #tpu.memory_space<vmem>> -> memref<1x128x64xf32, #tpu.memory_space<vmem>>
      %dma_wait3A_509 = tpu.memref_squeeze %dma_wait3A_508 : memref<1x128x64xf32, #tpu.memory_space<vmem>> -> memref<128x64xf32, #tpu.memory_space<vmem>>
      %dma_wait3A_510 = arith.constant 0 : i32
      %dma_wait3A_511 = arith.constant 0 : i32
      %dma_wait3A_512 = tpu.memref_slice %arg10[%dma_wait3A_510, %dma_wait3A_511] : memref<10240x64xf32, #tpu.memory_space<vmem_shared>> -> memref<128x64xf32, #tpu.memory_space<vmem_shared>>
      %dma_wait3A_513 = arith.constant 0 : i32
      %dma_wait3A_514 = arith.constant 0 : i32
      %dma_wait3A_515 = tpu.memref_slice %arg10[%dma_wait3A_513, %dma_wait3A_514] : memref<10240x64xf32, #tpu.memory_space<vmem_shared>> -> memref<128x64xf32, #tpu.memory_space<vmem_shared>>
      %dma_wait3A_516 = arith.constant 0 : i32
      %dma_wait3A_517 = arith.constant 0 : i32
      %dma_wait3A_518 = tpu.memref_slice %arg9[%dma_wait3A_505, %dma_wait3A_516, %dma_wait3A_517] : memref<5x128x64xf32, #tpu.memory_space<vmem>> -> memref<1x128x64xf32, #tpu.memory_space<vmem>>
      %dma_wait3A_519 = tpu.memref_squeeze %dma_wait3A_518 : memref<1x128x64xf32, #tpu.memory_space<vmem>> -> memref<128x64xf32, #tpu.memory_space<vmem>>
      tpu.wait_dma2 semaphore(%arg20 : memref<!tpu.dma_semaphore, #tpu.memory_space<semaphore_mem>>) src(%dma_wait3A_519 : memref<128x64xf32, #tpu.memory_space<vmem>>) dst(%dma_wait3A_515 : memref<128x64xf32, #tpu.memory_space<vmem_shared>>)
      %mul3A_520 = arith.constant 5 : i32
      %mul3A_521 = arith.muli %sub3A_200, %mul3A_520 : i32
      %add3A_522 = arith.constant 3 : i32
      %add3A_523 = arith.addi %mul3A_521, %add3A_522 : i32
      %dma_start3A_524 = arith.constant 3 : i32
      %dma_start3A_525 = arith.constant 0 : i32
      %dma_start3A_526 = arith.constant 0 : i32
      %dma_start3A_527 = tpu.memref_slice %arg9[%dma_start3A_524, %dma_start3A_525, %dma_start3A_526] : memref<5x128x64xf32, #tpu.memory_space<vmem>> -> memref<1x128x64xf32, #tpu.memory_space<vmem>>
      %dma_start3A_528 = tpu.memref_squeeze %dma_start3A_527 : memref<1x128x64xf32, #tpu.memory_space<vmem>> -> memref<128x64xf32, #tpu.memory_space<vmem>>
      %dma_start3A_529 = arith.constant 0 : i32
      %dma_start3A_530 = tpu.memref_slice %arg7[%add3A_523, %dma_start3A_529] : memref<10x128xi32, #tpu.memory_space<vmem>> -> memref<1x128xi32, #tpu.memory_space<vmem>>
      %dma_start3A_531 = tpu.memref_squeeze %dma_start3A_530 : memref<1x128xi32, #tpu.memory_space<vmem>> -> memref<128xi32, #tpu.memory_space<vmem>>
      %dma_start3A_532 = arith.constant 0 : i32
      %dma_start3A_533 = arith.constant 0 : i32
      %dma_start3A_534 = tpu.memref_slice %arg11[%dma_start3A_532, %dma_start3A_533] : memref<10000x64xf32, #tpu.memory_space<vmem_shared>> -> memref<10000x64xf32, #tpu.memory_space<vmem_shared>>
      tpu.enqueue_indirect_dma source(%dma_start3A_534 : memref<10000x64xf32, #tpu.memory_space<vmem_shared>>) target(%dma_start3A_528 : memref<128x64xf32, #tpu.memory_space<vmem>>) offsets(%dma_start3A_531 : memref<128xi32, #tpu.memory_space<vmem>>) semaphore(%arg15 : memref<!tpu.dma_semaphore, #tpu.memory_space<semaphore_mem>>)
      %dma_wait3A_535 = arith.constant 4 : i32
      %dma_wait3A_536 = arith.constant 0 : i32
      %dma_wait3A_537 = arith.constant 0 : i32
      %dma_wait3A_538 = tpu.memref_slice %arg9[%dma_wait3A_535, %dma_wait3A_536, %dma_wait3A_537] : memref<5x128x64xf32, #tpu.memory_space<vmem>> -> memref<1x128x64xf32, #tpu.memory_space<vmem>>
      %dma_wait3A_539 = tpu.memref_squeeze %dma_wait3A_538 : memref<1x128x64xf32, #tpu.memory_space<vmem>> -> memref<128x64xf32, #tpu.memory_space<vmem>>
      %dma_wait3A_540 = arith.constant 0 : i32
      %dma_wait3A_541 = arith.constant 0 : i32
      %dma_wait3A_542 = tpu.memref_slice %arg10[%dma_wait3A_540, %dma_wait3A_541] : memref<10240x64xf32, #tpu.memory_space<vmem_shared>> -> memref<128x64xf32, #tpu.memory_space<vmem_shared>>
      %dma_wait3A_543 = arith.constant 0 : i32
      %dma_wait3A_544 = arith.constant 0 : i32
      %dma_wait3A_545 = tpu.memref_slice %arg10[%dma_wait3A_543, %dma_wait3A_544] : memref<10240x64xf32, #tpu.memory_space<vmem_shared>> -> memref<128x64xf32, #tpu.memory_space<vmem_shared>>
      %dma_wait3A_546 = arith.constant 0 : i32
      %dma_wait3A_547 = arith.constant 0 : i32
      %dma_wait3A_548 = tpu.memref_slice %arg9[%dma_wait3A_535, %dma_wait3A_546, %dma_wait3A_547] : memref<5x128x64xf32, #tpu.memory_space<vmem>> -> memref<1x128x64xf32, #tpu.memory_space<vmem>>
      %dma_wait3A_549 = tpu.memref_squeeze %dma_wait3A_548 : memref<1x128x64xf32, #tpu.memory_space<vmem>> -> memref<128x64xf32, #tpu.memory_space<vmem>>
      tpu.wait_dma2 semaphore(%arg21 : memref<!tpu.dma_semaphore, #tpu.memory_space<semaphore_mem>>) src(%dma_wait3A_549 : memref<128x64xf32, #tpu.memory_space<vmem>>) dst(%dma_wait3A_545 : memref<128x64xf32, #tpu.memory_space<vmem_shared>>)
      %mul3A_550 = arith.constant 5 : i32
      %mul3A_551 = arith.muli %sub3A_200, %mul3A_550 : i32
      %add3A_552 = arith.constant 4 : i32
      %add3A_553 = arith.addi %mul3A_551, %add3A_552 : i32
      %dma_start3A_554 = arith.constant 4 : i32
      %dma_start3A_555 = arith.constant 0 : i32
      %dma_start3A_556 = arith.constant 0 : i32
      %dma_start3A_557 = tpu.memref_slice %arg9[%dma_start3A_554, %dma_start3A_555, %dma_start3A_556] : memref<5x128x64xf32, #tpu.memory_space<vmem>> -> memref<1x128x64xf32, #tpu.memory_space<vmem>>
      %dma_start3A_558 = tpu.memref_squeeze %dma_start3A_557 : memref<1x128x64xf32, #tpu.memory_space<vmem>> -> memref<128x64xf32, #tpu.memory_space<vmem>>
      %dma_start3A_559 = arith.constant 0 : i32
      %dma_start3A_560 = tpu.memref_slice %arg7[%add3A_553, %dma_start3A_559] : memref<10x128xi32, #tpu.memory_space<vmem>> -> memref<1x128xi32, #tpu.memory_space<vmem>>
      %dma_start3A_561 = tpu.memref_squeeze %dma_start3A_560 : memref<1x128xi32, #tpu.memory_space<vmem>> -> memref<128xi32, #tpu.memory_space<vmem>>
      %dma_start3A_562 = arith.constant 0 : i32
      %dma_start3A_563 = arith.constant 0 : i32
      %dma_start3A_564 = tpu.memref_slice %arg11[%dma_start3A_562, %dma_start3A_563] : memref<10000x64xf32, #tpu.memory_space<vmem_shared>> -> memref<10000x64xf32, #tpu.memory_space<vmem_shared>>
      tpu.enqueue_indirect_dma source(%dma_start3A_564 : memref<10000x64xf32, #tpu.memory_space<vmem_shared>>) target(%dma_start3A_558 : memref<128x64xf32, #tpu.memory_space<vmem>>) offsets(%dma_start3A_561 : memref<128xi32, #tpu.memory_space<vmem>>) semaphore(%arg16 : memref<!tpu.dma_semaphore, #tpu.memory_space<semaphore_mem>>)
    }
    %scan3A_108 = arith.constant 32 : i32
    %dma_wait3A = arith.constant 0 : i32
    %dma_wait3A_109 = arith.constant 0 : i32
    %dma_wait3A_110 = arith.constant 0 : i32
    %dma_wait3A_111 = tpu.memref_slice %arg9[%dma_wait3A, %dma_wait3A_109, %dma_wait3A_110] : memref<5x128x64xf32, #tpu.memory_space<vmem>> -> memref<1x128x64xf32, #tpu.memory_space<vmem>>
    %dma_wait3A_112 = tpu.memref_squeeze %dma_wait3A_111 : memref<1x128x64xf32, #tpu.memory_space<vmem>> -> memref<128x64xf32, #tpu.memory_space<vmem>>
    %dma_wait3A_113 = arith.constant 0 : i32
    %dma_wait3A_114 = arith.constant 0 : i32
    %dma_wait3A_115 = tpu.memref_slice %arg5[%arg0, %dma_wait3A_113, %dma_wait3A_114] : memref<2x128x64xf32, #tpu.memory_space<hbm>> -> memref<1x128x64xf32, #tpu.memory_space<hbm>>
    %dma_wait3A_116 = tpu.memref_squeeze %dma_wait3A_115 : memref<1x128x64xf32, #tpu.memory_space<hbm>> -> memref<128x64xf32, #tpu.memory_space<hbm>>
    %dma_wait3A_117 = arith.constant 0 : i32
    %dma_wait3A_118 = arith.constant 0 : i32
    %dma_wait3A_119 = tpu.memref_slice %arg9[%dma_wait3A, %dma_wait3A_117, %dma_wait3A_118] : memref<5x128x64xf32, #tpu.memory_space<vmem>> -> memref<1x128x64xf32, #tpu.memory_space<vmem>>
    %dma_wait3A_120 = tpu.memref_squeeze %dma_wait3A_119 : memref<1x128x64xf32, #tpu.memory_space<vmem>> -> memref<128x64xf32, #tpu.memory_space<vmem>>
    %dma_wait3A_121 = arith.constant 0 : i32
    %dma_wait3A_122 = arith.constant 0 : i32
    %dma_wait3A_123 = tpu.memref_slice %arg5[%arg0, %dma_wait3A_121, %dma_wait3A_122] : memref<2x128x64xf32, #tpu.memory_space<hbm>> -> memref<1x128x64xf32, #tpu.memory_space<hbm>>
    %dma_wait3A_124 = tpu.memref_squeeze %dma_wait3A_123 : memref<1x128x64xf32, #tpu.memory_space<hbm>> -> memref<128x64xf32, #tpu.memory_space<hbm>>
    tpu.wait_dma2 semaphore(%arg12 : memref<!tpu.dma_semaphore, #tpu.memory_space<semaphore_mem>>) src(%dma_wait3A_124 : memref<128x64xf32, #tpu.memory_space<hbm>>) dst(%dma_wait3A_120 : memref<128x64xf32, #tpu.memory_space<vmem>>)
    %dma_wait3A_125 = arith.constant 1 : i32
    %dma_wait3A_126 = arith.constant 0 : i32
    %dma_wait3A_127 = arith.constant 0 : i32
    %dma_wait3A_128 = tpu.memref_slice %arg9[%dma_wait3A_125, %dma_wait3A_126, %dma_wait3A_127] : memref<5x128x64xf32, #tpu.memory_space<vmem>> -> memref<1x128x64xf32, #tpu.memory_space<vmem>>
    %dma_wait3A_129 = tpu.memref_squeeze %dma_wait3A_128 : memref<1x128x64xf32, #tpu.memory_space<vmem>> -> memref<128x64xf32, #tpu.memory_space<vmem>>
    %dma_wait3A_130 = arith.constant 0 : i32
    %dma_wait3A_131 = arith.constant 0 : i32
    %dma_wait3A_132 = tpu.memref_slice %arg5[%arg0, %dma_wait3A_130, %dma_wait3A_131] : memref<2x128x64xf32, #tpu.memory_space<hbm>> -> memref<1x128x64xf32, #tpu.memory_space<hbm>>
    %dma_wait3A_133 = tpu.memref_squeeze %dma_wait3A_132 : memref<1x128x64xf32, #tpu.memory_space<hbm>> -> memref<128x64xf32, #tpu.memory_space<hbm>>
    %dma_wait3A_134 = arith.constant 0 : i32
    %dma_wait3A_135 = arith.constant 0 : i32
    %dma_wait3A_136 = tpu.memref_slice %arg9[%dma_wait3A_125, %dma_wait3A_134, %dma_wait3A_135] : memref<5x128x64xf32, #tpu.memory_space<vmem>> -> memref<1x128x64xf32, #tpu.memory_space<vmem>>
    %dma_wait3A_137 = tpu.memref_squeeze %dma_wait3A_136 : memref<1x128x64xf32, #tpu.memory_space<vmem>> -> memref<128x64xf32, #tpu.memory_space<vmem>>
    %dma_wait3A_138 = arith.constant 0 : i32
    %dma_wait3A_139 = arith.constant 0 : i32
    %dma_wait3A_140 = tpu.memref_slice %arg5[%arg0, %dma_wait3A_138, %dma_wait3A_139] : memref<2x128x64xf32, #tpu.memory_space<hbm>> -> memref<1x128x64xf32, #tpu.memory_space<hbm>>
    %dma_wait3A_141 = tpu.memref_squeeze %dma_wait3A_140 : memref<1x128x64xf32, #tpu.memory_space<hbm>> -> memref<128x64xf32, #tpu.memory_space<hbm>>
    tpu.wait_dma2 semaphore(%arg13 : memref<!tpu.dma_semaphore, #tpu.memory_space<semaphore_mem>>) src(%dma_wait3A_141 : memref<128x64xf32, #tpu.memory_space<hbm>>) dst(%dma_wait3A_137 : memref<128x64xf32, #tpu.memory_space<vmem>>)
    %dma_wait3A_142 = arith.constant 2 : i32
    %dma_wait3A_143 = arith.constant 0 : i32
    %dma_wait3A_144 = arith.constant 0 : i32
    %dma_wait3A_145 = tpu.memref_slice %arg9[%dma_wait3A_142, %dma_wait3A_143, %dma_wait3A_144] : memref<5x128x64xf32, #tpu.memory_space<vmem>> -> memref<1x128x64xf32, #tpu.memory_space<vmem>>
    %dma_wait3A_146 = tpu.memref_squeeze %dma_wait3A_145 : memref<1x128x64xf32, #tpu.memory_space<vmem>> -> memref<128x64xf32, #tpu.memory_space<vmem>>
    %dma_wait3A_147 = arith.constant 0 : i32
    %dma_wait3A_148 = arith.constant 0 : i32
    %dma_wait3A_149 = tpu.memref_slice %arg5[%arg0, %dma_wait3A_147, %dma_wait3A_148] : memref<2x128x64xf32, #tpu.memory_space<hbm>> -> memref<1x128x64xf32, #tpu.memory_space<hbm>>
    %dma_wait3A_150 = tpu.memref_squeeze %dma_wait3A_149 : memref<1x128x64xf32, #tpu.memory_space<hbm>> -> memref<128x64xf32, #tpu.memory_space<hbm>>
    %dma_wait3A_151 = arith.constant 0 : i32
    %dma_wait3A_152 = arith.constant 0 : i32
    %dma_wait3A_153 = tpu.memref_slice %arg9[%dma_wait3A_142, %dma_wait3A_151, %dma_wait3A_152] : memref<5x128x64xf32, #tpu.memory_space<vmem>> -> memref<1x128x64xf32, #tpu.memory_space<vmem>>
    %dma_wait3A_154 = tpu.memref_squeeze %dma_wait3A_153 : memref<1x128x64xf32, #tpu.memory_space<vmem>> -> memref<128x64xf32, #tpu.memory_space<vmem>>
    %dma_wait3A_155 = arith.constant 0 : i32
    %dma_wait3A_156 = arith.constant 0 : i32
    %dma_wait3A_157 = tpu.memref_slice %arg5[%arg0, %dma_wait3A_155, %dma_wait3A_156] : memref<2x128x64xf32, #tpu.memory_space<hbm>> -> memref<1x128x64xf32, #tpu.memory_space<hbm>>
    %dma_wait3A_158 = tpu.memref_squeeze %dma_wait3A_157 : memref<1x128x64xf32, #tpu.memory_space<hbm>> -> memref<128x64xf32, #tpu.memory_space<hbm>>
    tpu.wait_dma2 semaphore(%arg14 : memref<!tpu.dma_semaphore, #tpu.memory_space<semaphore_mem>>) src(%dma_wait3A_158 : memref<128x64xf32, #tpu.memory_space<hbm>>) dst(%dma_wait3A_154 : memref<128x64xf32, #tpu.memory_space<vmem>>)
    %dma_wait3A_159 = arith.constant 3 : i32
    %dma_wait3A_160 = arith.constant 0 : i32
    %dma_wait3A_161 = arith.constant 0 : i32
    %dma_wait3A_162 = tpu.memref_slice %arg9[%dma_wait3A_159, %dma_wait3A_160, %dma_wait3A_161] : memref<5x128x64xf32, #tpu.memory_space<vmem>> -> memref<1x128x64xf32, #tpu.memory_space<vmem>>
    %dma_wait3A_163 = tpu.memref_squeeze %dma_wait3A_162 : memref<1x128x64xf32, #tpu.memory_space<vmem>> -> memref<128x64xf32, #tpu.memory_space<vmem>>
    %dma_wait3A_164 = arith.constant 0 : i32
    %dma_wait3A_165 = arith.constant 0 : i32
    %dma_wait3A_166 = tpu.memref_slice %arg5[%arg0, %dma_wait3A_164, %dma_wait3A_165] : memref<2x128x64xf32, #tpu.memory_space<hbm>> -> memref<1x128x64xf32, #tpu.memory_space<hbm>>
    %dma_wait3A_167 = tpu.memref_squeeze %dma_wait3A_166 : memref<1x128x64xf32, #tpu.memory_space<hbm>> -> memref<128x64xf32, #tpu.memory_space<hbm>>
    %dma_wait3A_168 = arith.constant 0 : i32
    %dma_wait3A_169 = arith.constant 0 : i32
    %dma_wait3A_170 = tpu.memref_slice %arg9[%dma_wait3A_159, %dma_wait3A_168, %dma_wait3A_169] : memref<5x128x64xf32, #tpu.memory_space<vmem>> -> memref<1x128x64xf32, #tpu.memory_space<vmem>>
    %dma_wait3A_171 = tpu.memref_squeeze %dma_wait3A_170 : memref<1x128x64xf32, #tpu.memory_space<vmem>> -> memref<128x64xf32, #tpu.memory_space<vmem>>
    %dma_wait3A_172 = arith.constant 0 : i32
    %dma_wait3A_173 = arith.constant 0 : i32
    %dma_wait3A_174 = tpu.memref_slice %arg5[%arg0, %dma_wait3A_172, %dma_wait3A_173] : memref<2x128x64xf32, #tpu.memory_space<hbm>> -> memref<1x128x64xf32, #tpu.memory_space<hbm>>
    %dma_wait3A_175 = tpu.memref_squeeze %dma_wait3A_174 : memref<1x128x64xf32, #tpu.memory_space<hbm>> -> memref<128x64xf32, #tpu.memory_space<hbm>>
    tpu.wait_dma2 semaphore(%arg15 : memref<!tpu.dma_semaphore, #tpu.memory_space<semaphore_mem>>) src(%dma_wait3A_175 : memref<128x64xf32, #tpu.memory_space<hbm>>) dst(%dma_wait3A_171 : memref<128x64xf32, #tpu.memory_space<vmem>>)
    %dma_wait3A_176 = arith.constant 4 : i32
    %dma_wait3A_177 = arith.constant 0 : i32
    %dma_wait3A_178 = arith.constant 0 : i32
    %dma_wait3A_179 = tpu.memref_slice %arg9[%dma_wait3A_176, %dma_wait3A_177, %dma_wait3A_178] : memref<5x128x64xf32, #tpu.memory_space<vmem>> -> memref<1x128x64xf32, #tpu.memory_space<vmem>>
    %dma_wait3A_180 = tpu.memref_squeeze %dma_wait3A_179 : memref<1x128x64xf32, #tpu.memory_space<vmem>> -> memref<128x64xf32, #tpu.memory_space<vmem>>
    %dma_wait3A_181 = arith.constant 0 : i32
    %dma_wait3A_182 = arith.constant 0 : i32
    %dma_wait3A_183 = tpu.memref_slice %arg5[%arg0, %dma_wait3A_181, %dma_wait3A_182] : memref<2x128x64xf32, #tpu.memory_space<hbm>> -> memref<1x128x64xf32, #tpu.memory_space<hbm>>
    %dma_wait3A_184 = tpu.memref_squeeze %dma_wait3A_183 : memref<1x128x64xf32, #tpu.memory_space<hbm>> -> memref<128x64xf32, #tpu.memory_space<hbm>>
    %dma_wait3A_185 = arith.constant 0 : i32
    %dma_wait3A_186 = arith.constant 0 : i32
    %dma_wait3A_187 = tpu.memref_slice %arg9[%dma_wait3A_176, %dma_wait3A_185, %dma_wait3A_186] : memref<5x128x64xf32, #tpu.memory_space<vmem>> -> memref<1x128x64xf32, #tpu.memory_space<vmem>>
    %dma_wait3A_188 = tpu.memref_squeeze %dma_wait3A_187 : memref<1x128x64xf32, #tpu.memory_space<vmem>> -> memref<128x64xf32, #tpu.memory_space<vmem>>
    %dma_wait3A_189 = arith.constant 0 : i32
    %dma_wait3A_190 = arith.constant 0 : i32
    %dma_wait3A_191 = tpu.memref_slice %arg5[%arg0, %dma_wait3A_189, %dma_wait3A_190] : memref<2x128x64xf32, #tpu.memory_space<hbm>> -> memref<1x128x64xf32, #tpu.memory_space<hbm>>
    %dma_wait3A_192 = tpu.memref_squeeze %dma_wait3A_191 : memref<1x128x64xf32, #tpu.memory_space<hbm>> -> memref<128x64xf32, #tpu.memory_space<hbm>>
    tpu.wait_dma2 semaphore(%arg16 : memref<!tpu.dma_semaphore, #tpu.memory_space<semaphore_mem>>) src(%dma_wait3A_192 : memref<128x64xf32, #tpu.memory_space<hbm>>) dst(%dma_wait3A_188 : memref<128x64xf32, #tpu.memory_space<vmem>>)
    %barrier3A_193 = arith.constant 0 : index
    tpu.barrier barrier_id(%barrier3A_193)
    %mul3A_194 = arith.constant 625 : i32
    %mul3A_195 = arith.muli %arg1, %mul3A_194 : i32
    %mul3A_196 = arith.constant 64 : i32
    %mul3A_197 = arith.muli %arg0, %mul3A_196 : i32
    "tpu.region"() ({
      %run_scoped3A_198 = tpu.sem_alloc : memref<!tpu.dma_semaphore, #tpu.memory_space<semaphore_mem>>
      %dma_start3A_199 = tpu.memref_slice %arg6[%mul3A_195, %mul3A_197] : memref<10000x128xf32, #tpu.memory_space<hbm>> -> memref<625x64xf32, #tpu.memory_space<hbm>>
      %dma_start3A_200 = arith.constant 0 : i32
      %dma_start3A_201 = tpu.memref_slice %arg10[%mul3A_195, %dma_start3A_200] : memref<10240x64xf32, #tpu.memory_space<vmem_shared>> -> memref<625x64xf32, #tpu.memory_space<vmem_shared>>
      tpu.enqueue_dma source(%dma_start3A_201 : memref<625x64xf32, #tpu.memory_space<vmem_shared>>) target(%dma_start3A_199 : memref<625x64xf32, #tpu.memory_space<hbm>>) target_semaphore(%run_scoped3A_198 : memref<!tpu.dma_semaphore, #tpu.memory_space<semaphore_mem>>)
      %dma_wait3A_202 = tpu.memref_slice %arg6[%mul3A_195, %mul3A_197] : memref<10000x128xf32, #tpu.memory_space<hbm>> -> memref<625x64xf32, #tpu.memory_space<hbm>>
      %dma_wait3A_203 = arith.constant 0 : i32
      %dma_wait3A_204 = tpu.memref_slice %arg10[%mul3A_195, %dma_wait3A_203] : memref<10240x64xf32, #tpu.memory_space<vmem_shared>> -> memref<625x64xf32, #tpu.memory_space<vmem_shared>>
      tpu.wait_dma2 semaphore(%run_scoped3A_198 : memref<!tpu.dma_semaphore, #tpu.memory_space<semaphore_mem>>) src(%dma_wait3A_204 : memref<625x64xf32, #tpu.memory_space<vmem_shared>>) dst(%dma_wait3A_202 : memref<625x64xf32, #tpu.memory_space<hbm>>)
      tpu.yield
    }) : () -> ()
    return
  }
}

module attributes {stable_mosaic.version = 14 : i64} {
  func.func @body(%arg0: i32, %arg1: memref<1000x128xf32, #tpu.memory_space<vmem>>, %arg2: memref<128x128xf32, #tpu.memory_space<vmem>>, %arg3: memref<1x128xf32, #tpu.memory_space<vmem>>, %arg4: memref<128x128xf32, #tpu.memory_space<vmem>>, %arg5: memref<1000x128xf32, #tpu.memory_space<vmem>>) attributes {dimension_semantics = [#tpu.dimension_semantics<arbitrary>], iteration_bounds = array<i64: 10>, scalar_prefetch = 0 : i64, scratch_operands = 0 : i64, tpu.core_type = #tpu.core_type<tc>, window_params = [{transform_indices = @transform_0, window_bounds = array<i64: 1000, 128>}, {pipeline_mode = #tpu.pipeline_mode<synchronous>, transform_indices = @transform_1, window_bounds = array<i64: 128, 128>}, {pipeline_mode = #tpu.pipeline_mode<synchronous>, transform_indices = @transform_2, window_bounds = array<i64: 1, 128>}, {pipeline_mode = #tpu.pipeline_mode<synchronous>, transform_indices = @transform_3, window_bounds = array<i64: 128, 128>}, {transform_indices = @transform_4, window_bounds = array<i64: 1000, 128>}]} {
    %get3A = arith.constant 0 : index
    %get3A_0 = arith.constant 0 : index
    %get3A_1 = vector.load %arg1[%get3A, %get3A_0] : memref<1000x128xf32, #tpu.memory_space<vmem>>, vector<1000x128xf32>
    %get3A_2 = arith.constant 0 : index
    %get3A_3 = arith.constant 0 : index
    %get3A_4 = vector.load %arg2[%get3A_2, %get3A_3] : memref<128x128xf32, #tpu.memory_space<vmem>>, vector<128x128xf32>
    %dot_general3A = arith.constant dense<0.000000e+00> : vector<1000x128xf32>
    %dot_general3A_5 = tpu.matmul %get3A_1, %get3A_4, %dot_general3A {dimension_numbers = #tpu.dot_dimension_numbers<[1], [0], [0], [1], [0, 0, 1, 1], [], []>, transpose_lhs_hint = false} : vector<1000x128xf32>, vector<128x128xf32>, vector<1000x128xf32> -> vector<1000x128xf32>
    %get3A_6 = arith.constant 0 : index
    %get3A_7 = arith.constant 0 : index
    %get3A_8 = vector.load %arg3[%get3A_6, %get3A_7] : memref<1x128xf32, #tpu.memory_space<vmem>>, vector<1x128xf32>
    %add3A = vector.broadcast %get3A_8 : vector<1x128xf32> to vector<1000x128xf32>
    %add3A_9 = arith.addf %dot_general3A_5, %add3A : vector<1000x128xf32>
    %max3A = arith.constant 0.000000e+00 : f32
    %max3A_10 = vector.broadcast %max3A : f32 to vector<1000x128xf32>
    %max3A_11 = arith.maximumf %add3A_9, %max3A_10 : vector<1000x128xf32>
    %get3A_12 = arith.constant 0 : index
    %get3A_13 = arith.constant 0 : index
    %get3A_14 = vector.load %arg4[%get3A_12, %get3A_13] : memref<128x128xf32, #tpu.memory_space<vmem>>, vector<128x128xf32>
    %dot_general3A_15 = arith.constant dense<0.000000e+00> : vector<1000x128xf32>
    %dot_general3A_16 = tpu.matmul %max3A_11, %get3A_14, %dot_general3A_15 {dimension_numbers = #tpu.dot_dimension_numbers<[1], [0], [0], [1], [0, 0, 1, 1], [], []>, transpose_lhs_hint = false} : vector<1000x128xf32>, vector<128x128xf32>, vector<1000x128xf32> -> vector<1000x128xf32>
    %swap3A = arith.constant 0 : index
    %swap3A_17 = arith.constant 0 : index
    %swap3A_18 = vector.load %arg5[%swap3A, %swap3A_17] : memref<1000x128xf32, #tpu.memory_space<vmem>>, vector<1000x128xf32>
    tpu.vector_store %arg5[%swap3A, %swap3A_17], %dot_general3A_16 {strides = array<i32>} : memref<1000x128xf32, #tpu.memory_space<vmem>>, vector<1000x128xf32>,
    return
  }
  func.func @transform_0(%arg0: i32) -> (i32, i32) {
    %c0_i32 = arith.constant 0 : i32
    %c0_i32_0 = arith.constant 0 : i32
    return %arg0, %c0_i32 : i32, i32
  }
  func.func @transform_1(%arg0: i32) -> (i32, i32) {
    %c0_i32 = arith.constant 0 : i32
    %c0_i32_0 = arith.constant 0 : i32
    %c0_i32_1 = arith.constant 0 : i32
    return %c0_i32, %c0_i32_0 : i32, i32
  }
  func.func @transform_2(%arg0: i32) -> (i32, i32) {
    %c0_i32 = arith.constant 0 : i32
    %c0_i32_0 = arith.constant 0 : i32
    %c0_i32_1 = arith.constant 0 : i32
    return %c0_i32, %c0_i32_0 : i32, i32
  }
  func.func @transform_3(%arg0: i32) -> (i32, i32) {
    %c0_i32 = arith.constant 0 : i32
    %c0_i32_0 = arith.constant 0 : i32
    %c0_i32_1 = arith.constant 0 : i32
    return %c0_i32, %c0_i32_0 : i32, i32
  }
  func.func @transform_4(%arg0: i32) -> (i32, i32) {
    %c0_i32 = arith.constant 0 : i32
    %c0_i32_0 = arith.constant 0 : i32
    return %arg0, %c0_i32 : i32, i32
  }
}

</mosaic_0001>

<sc_bundles>
// kernel: kernel.4.cloned.1.call-start
scs
__scs_entry_jumppad:
0x0: {  	(pc) =	sbr.rel $0x88, $3  }
0x1: {  	(tag) =	ssettag $0x0;
	lr =	simm.s32 $0x1  }
0x2: {  	[smem:$0x3F9B] =	sst lr;
	_ =	strace $0xD0000000  }
0x3: {  	_ = 	snop  }
0x4: {  	_ = 	snop  }
0x5: {  	_ = 	snop  }
0x6: {  	_ = 	snop  }
0x7: {  	_ = 	snop  }
__scs_overlays_trampoline_lowered:
0x8: {  	[smem:$0x3FAA] =	sst s0  }
0x9: {  	[smem:$0x3FAB] =	sst s1  }
0xa: {  	[smem:$0x3FAC] =	sst s2  }
0xb: {  	[smem:$0x3FAD] =	sst s3  }
0xc: {  	[smem:$0x3FAE] =	sst s4  }
0xd: {  	[smem:$0x3FAF] =	sst s5  }
0xe: {  	[smem:$0x3FB0] =	sst s6  }
0xf: {  	[smem:$0x3FB1] =	sst s7  }
0x10: {  	[smem:$0x3FB2] =	sst s8  }
0x11: {  	[smem:$0x3FB3] =	sst s9;
	s0 =	simm.s32 @!p0 $0x0  }
0x12: {  	s1 =	sld [smem:$0x3F99];
	s0 =	simm.s32 @p0 $0x1  }
0x13: {  	[smem:$0x3FB4] =	sst s0;
	s0 =	simm.s32 @!p1 $0x0  }
0x14: {  	s2 =	sld [smem:$0x3F98];
	s0 =	simm.s32 @p1 $0x1  }
0x15: {  	[smem:$0x3FB5] =	sst s0;
	s0 =	simm.s32 @!p2 $0x0  }
0x16: {  	s3 =	sld [smem:$0x3FDB];
	s0 =	simm.s32 @p2 $0x1  }
0x17: {  	s4 =	simm.s32 $0x1BF5;
	[smem:$0x3FB7] =	sst s0  }
0x18: {  	s0 =	sld [smem:$0x3F9A];
	_ =	swait.ge [sflag:s4], $0x0  }
0x19: {  	s7 =	sld [smem:$0x3F9B]  }
0x1a: {  	s8 =	sadd.s32 $0xFFFFE003, lr  }
0x1b: {  	s9 =	sadd.s32 $0xFFFFFEF7, lr;
	s5 =	simm.s32 $0xFFFFFFFF;
	p2 =	slt.u32 s8, $0xFFFFF086  }
0x1c: {  	p1 =	slt.u32 s9, $0xF7A;
	s5 =	simm.s32 @!p2 $0x0  }
0x1d: {  	s5 =	simm.s32 @p1 $0x1;
	p0 =	seq.s32 s7, s2  }
0x1e: {  	s7 =	smul.u32 @!p0 $0xF7A, s2;
	p2 =	seq.s32 @!p0 s5, $0x0  }
0x1f: {  	s9 =	smul.u32 $0xF7A, s1;
	s8 =	simm.s32 @!p0 $0x1BF5;
	p2 =	por !p2, p0  }
0x20: {  	[sflag:s8] =	ssyncset.s32 @!p0 $0xFFFFF086;
	s6 =	sadd.s32 @!p0 s3, s7;
	s7 =	simm.s32 @!p0 $0x108  }
0x21: {  	s3 =	sadd.s32 s3, s9;
	s6 =	sadd.s32 @!p0 $0x88, s6;
	s7 =	simm.s32 @p2 $0x1082  }
0x22: {  	[simem:s7], [sflag:s8] =	dma.local @!p0 [hbm:s6], $0xF7A  }
0x23: {  	s9 =	sor.u32 $0xD0000000, s2;
	s6 =	simm.s32 $0x108;
	_ =	swait.ge @!p0 [sflag:s8], $0x0  }
0x24: {  	s3 =	sadd.s32 $0x88, s3;
	s6 =	simm.s32 @!p1 $0x1082;
	[sflag:s4] =	ssyncset.s32 $0xFFFFF086  }
0x25: {  	[simem:s6], [sflag:s4] =	dma.local [hbm:s3], $0xF7A  }
0x26: {  	[smem:$0x3F9B] =	sst s1;
	(tag) =	ssettag s2;
	_ =	strace s9  }
0x27: {  	s1 =	sld [smem:$0x3FAB]  }
0x28: {  	s2 =	sld [smem:$0x3FAC]  }
0x29: {  	s4 =	sld [smem:$0x3FAE]  }
0x2a: {  	p0 =	seq.s32 s5, $0x0;
	s5 =	sld [smem:$0x3FAF]  }
0x2b: {  	s6 =	sld [smem:$0x3FB0]  }
0x2c: {  	s7 =	sld [smem:$0x3FB1]  }
0x2d: {  	s3 =	simm.s32 $0x108;
	s8 =	sld [smem:$0x3FB2]  }
0x2e: {  	s3 =	simm.s32 @!p0 $0x1082;
	s9 =	sld [smem:$0x3FB3]  }
0x2f: {  	lr =	sadd.s32 s0, s3;
	s0 =	sld [smem:$0x3FAA]  }
0x30: {  	s3 =	sld [smem:$0x3FAD]  }
0x31: {  	[smem:$0x3FB6] =	sst s10  }
0x32: {  	s10 =	sld [smem:$0x3FB4];
	_ =	sdelay $0x3  }
0x33: {  	p0 =	seq.s32 s10, $0x1;
	s10 =	sld [smem:$0x3FB6];
	_ =	sdelay $0x3  }
0x34: {  	[smem:$0x3FB6] =	sst s10  }
0x35: {  	s10 =	sld [smem:$0x3FB5];
	_ =	sdelay $0x3  }
0x36: {  	p1 =	seq.s32 s10, $0x1;
	s10 =	sld [smem:$0x3FB6];
	_ =	sdelay $0x3  }
0x37: {  	[smem:$0x3FB6] =	sst s10  }
0x38: {  	s10 =	sld [smem:$0x3FB7]  }
0x39: {  	_ = 	snop;
	(pc) =	sbr.ind lr, $3  }
0x3a: {  	_ = 	snop  }
0x3b: {  	_ = 	snop  }
0x3c: {  	p2 =	seq.s32 s10, $0x1;
	s10 =	sld [smem:$0x3FB6]  }
0x3d: {  	_ =	shalt  }
0x3e: {  	_ =	shalt  }
0x3f: {  	_ =	shalt  }
0x40: {  	_ =	shalt  }
0x41: {  	_ =	shalt  }
0x42: {  	_ =	shalt  }
0x43: {  	_ =	shalt  }
0x44: {  	_ =	shalt  }
0x45: {  	_ =	shalt  }
0x46: {  	_ =	shalt  }
0x47: {  	_ =	shalt  }
0x48: {  	_ =	shalt  }
0x49: {  	_ =	shalt  }
0x4a: {  	_ =	shalt  }
0x4b: {  	_ =	shalt  }
0x4c: {  	_ =	shalt  }
0x4d: {  	_ =	shalt  }
0x4e: {  	_ =	shalt  }
0x4f: {  	_ =	shalt  }
0x50: {  	_ =	shalt  }
0x51: {  	_ =	shalt  }
0x52: {  	_ =	shalt  }
0x53: {  	_ =	shalt  }
0x54: {  	_ =	shalt  }
0x55: {  	_ =	shalt  }
0x56: {  	_ =	shalt  }
0x57: {  	_ =	shalt  }
0x58: {  	_ =	shalt  }
0x59: {  	_ =	shalt  }
0x5a: {  	_ =	shalt  }
0x5b: {  	_ =	shalt  }
0x5c: {  	_ =	shalt  }
0x5d: {  	_ =	shalt  }
0x5e: {  	_ =	shalt  }
0x5f: {  	_ =	shalt  }
0x60: {  	_ =	shalt  }
0x61: {  	_ =	shalt  }
0x62: {  	_ =	shalt  }
0x63: {  	_ =	shalt  }
0x64: {  	_ =	shalt  }
0x65: {  	_ =	shalt  }
0x66: {  	_ =	shalt  }
0x67: {  	_ =	shalt  }
0x68: {  	_ =	shalt  }
0x69: {  	_ =	shalt  }
0x6a: {  	_ =	shalt  }
0x6b: {  	_ =	shalt  }
0x6c: {  	_ =	shalt  }
0x6d: {  	_ =	shalt  }
0x6e: {  	_ =	shalt  }
0x6f: {  	_ =	shalt  }
0x70: {  	_ =	shalt  }
0x71: {  	_ =	shalt  }
0x72: {  	_ =	shalt  }
0x73: {  	_ =	shalt  }
0x74: {  	_ =	shalt  }
0x75: {  	_ =	shalt  }
0x76: {  	_ =	shalt  }
0x77: {  	_ =	shalt  }
0x78: {  	_ =	shalt  }
0x79: {  	_ =	shalt  }
0x7a: {  	_ =	shalt  }
0x7b: {  	_ =	shalt  }
0x7c: {  	_ =	shalt  }
0x7d: {  	_ =	shalt  }
0x7e: {  	_ =	shalt  }
0x7f: {  	_ =	shalt  }
0x80: {  	_ =	shalt  }
0x81: {  	_ =	shalt  }
0x82: {  	_ =	shalt  }
0x83: {  	_ =	shalt  }
0x84: {  	_ =	shalt  }
0x85: {  	_ =	shalt  }
0x86: {  	_ =	shalt  }
0x87: {  	_ =	shalt  }
.Lfunc_end0:
.L_simem_size_0:
called_computation_lowered:
.L_overlay_start_0:
0x88: {  	s2 =	sld [smem:$0x3FD9]  }
0x89: {  	s3 =	sld [smem:$0x3FFE];
	_ =	sdelay $0x1  }
0x8a: {  	s1 =	srdreg.scid  }
0x8b: {  	s0 =	sand.u32 $0x1, s1  }
0x8c: {  	s17 =	sshll.u32 s0, $0xA;
	s2 =	sadd.s32 s3, s2  }
0x8d: {  	s2 =	sadd.s32 s2, s17  }
0x8e: {  	[smem:$0x3FC2] =	sst s2  }
0x8f: {  	_ = 	snop  }
0x90: {  	s2 =	sld [smem:$0x3FD0];
	(tm) =	ssettm $0x1  }
0x91: {  	s18 =	sld [smem:$0x3FFB];
	_ =	sdelay $0x3  }
0x92: {  	_ =	strace s18  }
0x93: {  	s3 =	sld [smem:$0x3FFC];
	_ =	sdelay $0x3  }
0x94: {  	_ =	strace s3  }
0x95: {  	s3 =	sld [smem:$0x3FFD];
	_ =	sdelay $0x3  }
0x96: {  	_ =	strace s3  }
0x97: {  	_ =	strace $0x8FFFFFFF  }
0x98: {  	s19 =	sld [smem:$0x3FDB];
	_ =	sdelay $0x1  }
0x99: {  	s4 =	simm.s32 $_scs_section_size  }
0x9a: {  	s5 =	simm.s32 $_size__tile_overlayer_lowered;
	s6 =	simm.s32 $_tile_overlayer_lowered  }
0x9b: {  	s22 =	simm.s32 $0x1BFF;
	s21 =	sshll.u32 s6, $0x1;
	s3 =	sadd.s32 s4, s19  }
0x9c: {  	s7 =	simm.s32 $0x0;
	s20 =	sshll.u32 s5, $0x1;
	s5 =	sadd.s32 s21, s3  }
0x9d: {  	[timem:s7], [sflag:s22] =	dma.local [hbm:s5], s20  }
0x9e: {  	_ =	swait.ge [sflag:s22], s20  }
0x9f: {  	s4 =	ssub.s32 $0x0, s20;
	[sflag:s22] =	ssyncset.done $0x0  }
0xa0: {  	[sflag:s22] =	ssyncadd.s32 s4;
	_ =	sdelay $0x1  }
0xa1: {  	s23 =	simm.s32 $0x1B8B  }
0xa2: {  	_ =	swait.ge [sflag:s23], $0x1  }
0xa3: {  	[sflag:s23] =	ssyncset.done $0x0  }
0xa4: {  	s25 =	simm.s32 $0x1B8E;
	s24 =	sld [smem:$0x3FFE];
	[sflag:s23] =	ssyncadd.s32 $0xFFFFFFFF  }
0xa5: {  	s26 =	simm.s32 $execute0_lowered;
	[smem:$0x3FD2] =	sst s25  }
0xa6: {  	s5 =	sshll.u32 s26, $0x1;
	_ =	strace $0x80000046;
	[dreg:$0x1] =	wrdreg $0xFFFFFFFF  }
0xa7: {  	s28 =	simm.s32 $_size_execute0_lowered;
	s3 =	sadd.s32 s3, s5;
	[dreg:$0x0] =	wrdreg $0x0  }
0xa8: {  	s5 =	sshll.u32 s28, $0x1;
	[dreg:$0x2] =	wrdreg s3  }
0xa9: {  	[dreg:$0x3] =	wrdreg s5  }
0xaa: {  	[dreg:$0x4] =	wrdreg $0xC0  }
0xab: {  	_ =	task [dreg:s7], $0x5FFFF  }
0xac: {  	[dreg:$0x1] =	wrdreg $0xFFFFFFFF  }
0xad: {  	[dreg:$0x0] =	wrdreg $0x60  }
0xae: {  	[dreg:$0x2] =	wrdreg s24  }
0xaf: {  	[dreg:$0x3] =	wrdreg s2  }
0xb0: {  	[dreg:$0x4] =	wrdreg $0xAA000  }
0xb1: {  	[dreg:$0x5] =	wrdreg $0x14A000  }
0xb2: {  	[dreg:$0x6] =	wrdreg $0x9  }
0xb3: {  	_ =	task.clear_ibuf [dreg:s7], $0x7FFFF;
	_ =	strace $0x90000046  }
0xb4: {  	s29 =	simm.s32 $0x9;
	_ =	strace $0x80000048  }
0xb5: {  	_ =	swait.ge [sflag:s29], $0x1  }
0xb6: {  	[sflag:s29] =	ssyncadd.s32 $0xFFFFFFFF  }
0xb7: {  	_ =	strace $0x90000048  }
0xb8: {  	_ =	sfence  }
0xb9: {  	s30 =	sld [smem:$0x0];
	_ =	sdelay $0x2  }
0xba: {  	s31 =	sshll.u32 s1, $0xD;
	s1 =	sshrl.u32 s1, $0x2  }
0xbb: {  	s3 =	sand.u32 $0x4000, s31;
	s1 =	sadd.s32 s1, s30  }
0xbc: {  	s0 =	sor.u32 s3, s0;
	s1 =	sshll.u32 s1, $0x11  }
0xbd: {  	s0 =	sor.u32 s1, s0  }
0xbe: {  	s0 =	sadd.s32 $0x8F2B, s0  }
0xbf: {  	[sflag:s0] =	ssyncadd.remote.s32 $0x1  }
0xc0: {  	_ =	sfence.sel $0xFFFF  }
0xc1: {  	[dreg:$0x0] =	wrdreg $0xFFFFFFFF;
	(pc) =	sbr.abs _section_cstart, $3  }
0xc2: {  	[dreg:$0x1] =	wrdreg $0xFFFFFFFF  }
0xc3: {  	_ =	task.clear_ibuf [dreg:s7], $0x2FFFF;
	_ =	strace $0x9FFFFFFF  }
0xc4: {  	(tm) =	ssettm $0x7FFFFFFF  }
0xc5: {  	_ =	shalt  }
tec
execute0_lowered:
.L_overlay_start_1:
0x0: {  	(tag) =	ssettag $0x1  }
0x1: {  	s0 =	rddreg [dreg:$0x0]  }
0x2: {  	s4 =	rddreg [dreg:$0x1]  }
0x3: {  	s1 =	rddreg [dreg:$0x2]  }
0x4: {  	s3 =	srdreg.scid;
	s14 =	stileid.u32  }
0x5: {  	s2 =	rddreg [dreg:$0x3];
	s9 =	smul.u32 $0xA0, s14  }
0x6: {  	s29 =	simm.s32 $0xC;
	s31 =	simm.s32 $0xA00;
	s12 =	smul.u32 $0x28000, s14  }
0x7: {  	s30 =	simm.s32 $0x2A00;
	s7 =	sand.u32 $0x1, s3;
	s13 =	smul.u32 $0xA00, s14  }
0x8: {  	s3 =	simm.s32 $0x0;
	s6 =	sadd.s32 $0x32200, s0;
	s20 =	smul.u32 $0x13880, s14  }
0x9: {  	s5 =	smul.u32 $0x13880, s7;
	[smem:$0x7FF] =	sst s3;
	s10 =	sshll.u32 s7, $0xA  }
0xa: {  	s11 =	ssub.s32 $0x2, s7;
	s7 =	sshll.u32 s7, $0x6;
	_ =	strace $0x80000047  }
0xb: {  	s28 =	sshrl.u32 s11, $0x1;
	[dreg:$0x5] =	wrdreg s9;
	s15 =	sshrl.u32 s12, $0x2  }
0xc: {  	s17 =	sadd.s32 s6, s13;
	s7 =	sor.u32 s7, s20;
	s8 =	sadd.s32 s5, s0  }
0xd: {  	s5 =	sadd.s32 $0x28200, s0;
	[dreg:$0x7] =	wrdreg s17;
	s9 =	sadd.s32 s15, s1  }
0xe: {  	s0 =	sadd.s32 s10, s0;
	s16 =	sadd.s32 s5, s13;
	[dreg:$0x8] =	wrdreg s9  }
0xf: {  	s10 =	ssub.s32 s11, s28;
	s0 =	sadd.s32 $0x27A00, s0;
	[dreg:$0x6] =	wrdreg s16  }
0x10: {  	s7 =	sshrl.u32 s7, $0x3;
	s18 =	sadd.s32 $0x2000, s9;
	[dreg:$0x9] =	wrdreg s0  }
0x11: {  	s19 =	sadd.s32 $0x4000, s9;
	s8 =	sadd.s32 $0x800, s8;
	[dreg:$0xa] =	wrdreg s18  }
0x12: {  	s4 =	sadd.s32 s4, s7;
	s10 =	smax.u32 s10, $0x1;
	[dreg:$0xb] =	wrdreg s19  }
0x13: {  	s7 =	simm.s32 $0x6A00;
	s0 =	smul.u32 $0x9C40, s14;
	[dreg:$0xc] =	wrdreg s4  }
0x14: {  	s13 =	simm.s32 $0x6;
	[dreg:$0x12] =	wrdreg s10;
	s10 =	simm.s32 $0x1  }
0x15: {  	s21 =	sshrl.u32 s0, $0x3;
	s22 =	sadd.s32 $0x1F40, s0;
	s15 =	sadd.s32 $0x3E80, s0  }
0x16: {  	s16 =	sadd.s32 $0x5DC0, s0;
	s18 =	sadd.s32 $0x7D00, s0;
	s14 =	sadd.s32 s0, s2  }
0x17: {  	s0 =	sadd.s32 s0, s1;
	s23 =	sshrl.u32 s22, $0x3;
	s24 =	sshrl.u32 s15, $0x3  }
0x18: {  	s17 =	sshrl.u32 s16, $0x3;
	s25 =	sshrl.u32 s18, $0x3;
	s26 =	sadd.s32 s21, s8  }
0x19: {  	s19 =	sadd.s32 s15, s2;
	s20 =	sadd.s32 s16, s2;
	s21 =	sadd.s32 s18, s2  }
0x1a: {  	s0 =	sshrl.u32 s0, $0x3;
	s15 =	simm.s32 $0x3;
	[dreg:$0xd] =	wrdreg s26  }
0x1b: {  	s16 =	simm.s32 $0x4;
	s28 =	sadd.s32 s23, s8;
	[dreg:$0x18] =	wrdreg s0  }
0x1c: {  	s18 =	simm.s32 $0x8;
	s11 =	sadd.s32 s24, s8;
	[dreg:$0xe] =	wrdreg s28  }
0x1d: {  	s12 =	sadd.s32 s17, s8;
	s4 =	sadd.s32 s25, s8;
	[dreg:$0xf] =	wrdreg s11  }
0x1e: {  	s17 =	sadd.s32 s22, s2;
	s23 =	sshrl.u32 s19, $0x3;
	[dreg:$0x10] =	wrdreg s12  }
0x1f: {  	s24 =	sshrl.u32 s20, $0x3;
	s25 =	sshrl.u32 s21, $0x3;
	[dreg:$0x11] =	wrdreg s4  }
0x20: {  	s26 =	sadd.s32 $0x6000, s9;
	s0 =	simm.s32 $0x80;
	[dreg:$0x15] =	wrdreg s23  }
0x21: {  	s8 =	simm.s32 $0x8A00;
	s19 =	simm.s32 $0x9;
	[dreg:$0x16] =	wrdreg s24  }
0x22: {  	s20 =	simm.s32 $0xA;
	s21 =	simm.s32 $0x0;
	[dreg:$0x17] =	wrdreg s25  }
0x23: {  	s4 =	sshrl.u32 s14, $0x3;
	s22 =	sshrl.u32 s17, $0x3;
	[dreg:$0x19] =	wrdreg s26  }
0x24: {  	s28 =	sadd.s32 $0x8000, s9;
	s11 =	simm.s32 $0x2;
	[dreg:$0x13] =	wrdreg s4  }
0x25: {  	s12 =	simm.s32 $0xB;
	s14 =	simm.s32 $0x7;
	[dreg:$0x14] =	wrdreg s22  }
0x26: {  	s17 =	simm.s32 $0x5;
	[dreg:$0x1a] =	wrdreg s28;
	s4 =	simm.s32 $0x4A00  }
.LBB2_1:
0x27: {  	[dreg:$0x1b] =	wrdreg s21  }
0x28: {  	s9 =	rddreg [dreg:$0x6]  }
0x29: {  	[tilespmem:s3], [sflag:$0xC] =	stream.linear.gather [hbm4b:s9+s3], $0x280, $0x38;
	[tilespmem:$0x1E640] =	vst v63  }
0x2a: {  	_ =	swait.ge [sflag:s29], $0x280  }
0x2b: {  	[sflag:s29] =	ssyncset.done $0x0  }
0x2c: {  	s25 =	simm.s32 $0x500;
	s24 =	rddreg [dreg:$0x7];
	[sflag:s29] =	ssyncadd.s32 $0xFFFFFD80  }
0x2d: {  	[tilespmem:s25], [sflag:$0xC] =	stream.linear.gather [hbm4b:s24+s3], $0x280, $0x38;
	[tilespmem:$0x1E640] =	vst v63  }
0x2e: {  	_ =	swait.ge [sflag:s29], $0x280  }
0x2f: {  	[sflag:s29] =	ssyncset.done $0x0  }
0x30: {  	s26 =	rddreg [dreg:$0x9];
	[sflag:s29] =	ssyncadd.s32 $0xFFFFFD80  }
0x31: {  	[tilespmem:s31], [sflag:$0xC] =	stream.linear.gather [hbm4b:s26+s3], $0x2000, $0x38;
	[tilespmem:$0x1E640] =	vst v63  }
0x32: {  	_ =	swait.ge [sflag:s29], $0x2000  }
0x33: {  	[sflag:s29] =	ssyncset.done $0x0  }
0x34: {  	s28 =	rddreg [dreg:$0x8];
	[sflag:s29] =	ssyncadd.s32 $0xFFFFE000  }
0x35: {  	[spmem:s28] =	stream.linear.scatter [tilespmem:s31], [sflag:$0xC], $0x2000, $0x38;
	[tilespmem:$0x1E640] =	vst v63  }
0x36: {  	_ =	swait.ge [sflag:s29], $0x2000  }
0x37: {  	[sflag:s29] =	ssyncset.done $0x0  }
0x38: {  	s21 =	rddreg [dreg:$0xa];
	[sflag:s29] =	ssyncadd.s32 $0xFFFFE000  }
0x39: {  	[spmem:s21] =	stream.linear.scatter [tilespmem:s31], [sflag:$0xC], $0x2000, $0x38;
	[tilespmem:$0x1E640] =	vst v63  }
0x3a: {  	_ =	swait.ge [sflag:s29], $0x2000  }
0x3b: {  	[sflag:s29] =	ssyncset.done $0x0  }
0x3c: {  	s22 =	rddreg [dreg:$0xb];
	[sflag:s29] =	ssyncadd.s32 $0xFFFFE000  }
0x3d: {  	[spmem:s22] =	stream.linear.scatter [tilespmem:s31], [sflag:$0xC], $0x2000, $0x38;
	[tilespmem:$0x1E640] =	vst v63  }
0x3e: {  	_ =	swait.ge [sflag:s29], $0x2000  }
0x3f: {  	[sflag:s29] =	ssyncset.done $0x0  }
0x40: {  	s23 =	rddreg [dreg:$0x19];
	[sflag:s29] =	ssyncadd.s32 $0xFFFFE000  }
0x41: {  	[spmem:s23] =	stream.linear.scatter [tilespmem:s31], [sflag:$0xC], $0x2000, $0x38;
	[tilespmem:$0x1E640] =	vst v63  }
0x42: {  	_ =	swait.ge [sflag:s29], $0x2000  }
0x43: {  	[sflag:s29] =	ssyncset.done $0x0  }
0x44: {  	s24 =	rddreg [dreg:$0x1a];
	[sflag:s29] =	ssyncadd.s32 $0xFFFFE000  }
0x45: {  	[spmem:s24] =	stream.linear.scatter [tilespmem:s31], [sflag:$0xC], $0x2000, $0x38;
	[tilespmem:$0x1E640] =	vst v63  }
0x46: {  	s25 =	stileid.u32;
	_ =	swait.ge [sflag:s29], $0x2000  }
0x47: {  	s22 =	sshll.u32 s25, $0x6;
	[sflag:s29] =	ssyncset.done $0x0;
	s26 =	rddreg [dreg:$0xd]  }
0x48: {  	s22 =	sor.u32 $0x1C0C, s22;
	s28 =	rddreg [dreg:$0x13];
	[sflag:s29] =	ssyncadd.s32 $0xFFFFE000  }
0x49: {  	[spmem:s28], [sflag:s22] =	dma.local [hbm:s26], $0x3E8  }
0x4a: {  	_ =	swait.ge [sflag:s29], $0x3E8  }
0x4b: {  	[sflag:s29] =	ssyncset.done $0x0;
	s21 =	rddreg [dreg:$0xe]  }
0x4c: {  	s23 =	rddreg [dreg:$0x14];
	[sflag:s29] =	ssyncadd.s32 $0xFFFFFC18  }
0x4d: {  	[spmem:s23], [sflag:s22] =	dma.local [hbm:s21], $0x3E8  }
0x4e: {  	_ =	swait.ge [sflag:s29], $0x3E8  }
0x4f: {  	[sflag:s29] =	ssyncset.done $0x0;
	s24 =	rddreg [dreg:$0xf]  }
0x50: {  	s25 =	rddreg [dreg:$0x15];
	[sflag:s29] =	ssyncadd.s32 $0xFFFFFC18  }
0x51: {  	[spmem:s25], [sflag:s22] =	dma.local [hbm:s24], $0x3E8  }
0x52: {  	_ =	swait.ge [sflag:s29], $0x3E8  }
0x53: {  	[sflag:s29] =	ssyncset.done $0x0;
	s26 =	rddreg [dreg:$0x10]  }
0x54: {  	s28 =	rddreg [dreg:$0x16];
	[sflag:s29] =	ssyncadd.s32 $0xFFFFFC18  }
0x55: {  	[spmem:s28], [sflag:s22] =	dma.local [hbm:s26], $0x3E8  }
0x56: {  	_ =	swait.ge [sflag:s29], $0x3E8;
	[dreg:$0x1c] =	wrdreg s22  }
0x57: {  	[sflag:s29] =	ssyncset.done $0x0;
	s23 =	rddreg [dreg:$0x11]  }
0x58: {  	s24 =	rddreg [dreg:$0x17];
	[sflag:s29] =	ssyncadd.s32 $0xFFFFFC18  }
0x59: {  	[spmem:s24], [sflag:s22] =	dma.local [hbm:s23], $0x3E8  }
0x5a: {  	_ =	swait.ge [sflag:s29], $0x3E8  }
0x5b: {  	[sflag:s29] =	ssyncset.done $0x0  }
0x5c: {  	[sflag:s29] =	ssyncadd.s32 $0xFFFFFC18  }
0x5d: {  	[bflag:$0x0] =	sbarrier.arrive $0xFFFF  }
0x5e: {  	[tilespmem:s31], [sflag:$0x1] =	stream.indirect.gather [spmem:s2], $0x40, s3, s0, $0xb8;
	[tilespmem:$0x1E640] =	vst v63  }
0x5f: {  	_ = 	snop  }
0x60: {  	[tilespmem:s30], [sflag:$0x2] =	stream.indirect.gather [spmem:s2], $0x40, s0, s0, $0xb8;
	[tilespmem:$0x1E640] =	vst v63  }
0x61: {  	s25 =	simm.s32 $0x100;
	s23 =	simm.s32 $0x1  }
0x62: {  	[tilespmem:s4], [sflag:$0x3] =	stream.indirect.gather [spmem:s2], $0x40, s25, s0, $0xb8;
	[tilespmem:$0x1E640] =	vst v63  }
0x63: {  	s26 =	simm.s32 $0x180;
	s28 =	simm.s32 $0x200;
	s24 =	sand.u32 $0x1F, s23  }
0x64: {  	[tilespmem:s7], [sflag:$0x4] =	stream.indirect.gather [spmem:s2], $0x40, s26, s0, $0xb8;
	[tilespmem:$0x1E640] =	vst v63  }
0x65: {  	s24 =	smul.u32 $0x5, s24;
	s25 =	rddreg [dreg:$0x5];
	s26 =	sand.u32 $0x1, s3  }
0x66: {  	[tilespmem:s8], [sflag:$0x5] =	stream.indirect.gather [spmem:s2], $0x40, s28, s0, $0xb8;
	[tilespmem:$0x1E640] =	vst v63  }
0x67: {  	s24 =	sadd.s32 s25, s24;
	s28 =	sxor.u32 $0x1, s26  }
0x68: {  	s24 =	sshll.u32 s24, $0x4;
	s25 =	smul.u32 $0x280, s28  }
0x69: {  	s21 =	sadd.s32 s5, s24  }
0x6a: {  	[tilespmem:s25], [sflag:$0xB] =	stream.linear.gather [hbm4b:s21+s3], $0x280, $0x38;
	[tilespmem:$0x1E640] =	vst v63  }
0x6b: {  	s24 =	sadd.s32 s6, s24;
	s22 =	sadd.s32 $0x500, s25;
	s21 =	smul.u32 $0xA00, s26  }
0x6c: {  	[tilespmem:s22], [sflag:$0xB] =	stream.linear.gather [hbm4b:s24+s3], $0x280, $0x38;
	[tilespmem:$0x1E640] =	vst v63  }
0x6d: {  	_ =	swait.ge [sflag:s10], $0x2000  }
0x6e: {  	s9 =	sshrl.u32 s21, $0x2;
	[sflag:s10] =	ssyncset.done $0x0  }
0x6f: {  	s22 =	sadd.s32 $0x500, s9;
	[sflag:s10] =	ssyncadd.s32 $0xFFFFE000  }
0x70: {  	[spmem:s1] =	stream.indirect.scatter.add.f32 [tilespmem:s31], [sflag:$0x6], $0x40, s22, s0, $0xb8;
	[tilespmem:$0x1E640] =	vst v63  }
0x71: {  	_ =	swait.ge [sflag:s11], $0x2000  }
0x72: {  	[sflag:s11] =	ssyncset.done $0x0  }
0x73: {  	s26 =	sadd.s32 $0x580, s9;
	[sflag:s11] =	ssyncadd.s32 $0xFFFFE000  }
0x74: {  	[spmem:s1] =	stream.indirect.scatter.add.f32 [tilespmem:s30], [sflag:$0x7], $0x40, s26, s0, $0xb8;
	[tilespmem:$0x1E640] =	vst v63  }
0x75: {  	_ =	swait.ge [sflag:s12], $0x280  }
0x76: {  	[sflag:s12] =	ssyncset.done $0x0  }
0x77: {  	[sflag:s12] =	ssyncadd.s32 $0xFFFFFD80  }
0x78: {  	_ =	swait.ge [sflag:s12], $0x280  }
0x79: {  	[sflag:s12] =	ssyncset.done $0x0  }
0x7a: {  	[sflag:s12] =	ssyncadd.s32 $0xFFFFFD80  }
0x7b: {  	_ =	swait.ge [sflag:s13], $0x2000  }
0x7c: {  	[sflag:s13] =	ssyncset.done $0x0  }
0x7d: {  	s28 =	smul.u32 $0xA00, s28;
	[sflag:s13] =	ssyncadd.s32 $0xFFFFE000  }
0x7e: {  	[tilespmem:s31], [sflag:$0x1] =	stream.indirect.gather [spmem:s2], $0x40, s25, s0, $0xb8;
	[tilespmem:$0x1E640] =	vst v63  }
0x7f: {  	_ =	swait.ge [sflag:s14], $0x2000  }
0x80: {  	s24 =	sshrl.u32 s28, $0x2;
	[sflag:s14] =	ssyncset.done $0x0  }
0x81: {  	s21 =	sadd.s32 $0x80, s24;
	[sflag:s14] =	ssyncadd.s32 $0xFFFFE000  }
0x82: {  	[tilespmem:s30], [sflag:$0x2] =	stream.indirect.gather [spmem:s2], $0x40, s21, s0, $0xb8;
	[tilespmem:$0x1E640] =	vst v63  }
0x83: {  	_ =	swait.ge [sflag:s15], $0x2000  }
0x84: {  	[sflag:s15] =	ssyncset.done $0x0  }
0x85: {  	s22 =	sadd.s32 $0x600, s9;
	[sflag:s15] =	ssyncadd.s32 $0xFFFFE000  }
0x86: {  	[spmem:s1] =	stream.indirect.scatter.add.f32 [tilespmem:s4], [sflag:$0x8], $0x40, s22, s0, $0xb8;
	[tilespmem:$0x1E640] =	vst v63  }
0x87: {  	_ =	swait.ge [sflag:s16], $0x2000  }
0x88: {  	[sflag:s16] =	ssyncset.done $0x0  }
0x89: {  	s26 =	sadd.s32 $0x680, s9;
	[sflag:s16] =	ssyncadd.s32 $0xFFFFE000  }
0x8a: {  	[spmem:s1] =	stream.indirect.scatter.add.f32 [tilespmem:s7], [sflag:$0x9], $0x40, s26, s0, $0xb8;
	[tilespmem:$0x1E640] =	vst v63  }
0x8b: {  	_ =	swait.ge [sflag:s17], $0x2000  }
0x8c: {  	[sflag:s17] =	ssyncset.done $0x0  }
0x8d: {  	s9 =	sadd.s32 $0x700, s9;
	[sflag:s17] =	ssyncadd.s32 $0xFFFFE000  }
0x8e: {  	[spmem:s1] =	stream.indirect.scatter.add.f32 [tilespmem:s8], [sflag:$0xA], $0x40, s9, s0, $0xb8;
	[tilespmem:$0x1E640] =	vst v63  }
0x8f: {  	_ =	swait.ge [sflag:s18], $0x2000  }
0x90: {  	[sflag:s18] =	ssyncset.done $0x0  }
0x91: {  	s28 =	sadd.s32 $0x100, s24;
	[sflag:s18] =	ssyncadd.s32 $0xFFFFE000  }
0x92: {  	[tilespmem:s4], [sflag:$0x3] =	stream.indirect.gather [spmem:s2], $0x40, s28, s0, $0xb8;
	[tilespmem:$0x1E640] =	vst v63  }
0x93: {  	_ =	swait.ge [sflag:s19], $0x2000  }
.LBB2_2:
0x94: {  	p0 =	sne.s32 s23, $0x1F  }
0x95: {  	[sflag:s19] =	ssyncset.done $0x0;
	s9 =	smov.u32 s23;
	s23 =	sadd.s32 $0x1, s23  }
0x96: {  	s26 =	sadd.s32 $0x180, s24;
	s25 =	sand.u32 $0x1F, s23;
	[sflag:s19] =	ssyncadd.s32 $0xFFFFE000  }
0x97: {  	[tilespmem:s7], [sflag:$0x4] =	stream.indirect.gather [spmem:s2], $0x40, s26, s0, $0xb8;
	[tilespmem:$0x1E640] =	vst v63  }
0x98: {  	s9 =	sand.u32 $0x1, s9;
	s26 =	smul.u32 $0x5, s25  }
0x99: {  	s22 =	sxor.u32 $0x1, s9;
	s9 =	smul.u32 $0xA00, s9  }
0x9a: {  	_ =	swait.ge [sflag:s20], $0x2000;
	s21 =	smul.u32 $0xA00, s22  }
0x9b: {  	s22 =	smul.u32 $0x280, s22;
	s28 =	rddreg [dreg:$0x5]  }
0x9c: {  	[sflag:s20] =	ssyncset.done $0x0;
	s25 =	sshrl.u32 s9, $0x2;
	s26 =	sadd.s32 s28, s26  }
0x9d: {  	[sflag:s20] =	ssyncadd.s32 $0xFFFFE000;
	s28 =	sadd.s32 $0x200, s24;
	s9 =	sshll.u32 s26, $0x4  }
0x9e: {  	[tilespmem:s8], [sflag:$0x5] =	stream.indirect.gather [spmem:s2], $0x40, s28, s0, $0xb8;
	[tilespmem:$0x1E640] =	vst v63  }
0x9f: {  	s26 =	sadd.s32 s5, s9  }
0xa0: {  	[tilespmem:s22], [sflag:$0xB] =	stream.linear.gather [hbm4b:s26+s3], $0x280, $0x38;
	[tilespmem:$0x1E640] =	vst v63  }
0xa1: {  	s28 =	sadd.s32 $0x500, s22;
	s9 =	sadd.s32 s6, s9  }
0xa2: {  	[tilespmem:s28], [sflag:$0xB] =	stream.linear.gather [hbm4b:s9+s3], $0x280, $0x38;
	[tilespmem:$0x1E640] =	vst v63  }
0xa3: {  	_ =	swait.ge [sflag:s10], $0x2000  }
0xa4: {  	[sflag:s10] =	ssyncset.done $0x0  }
0xa5: {  	s24 =	sshrl.u32 s21, $0x2;
	s21 =	sadd.s32 $0x500, s25;
	[sflag:s10] =	ssyncadd.s32 $0xFFFFE000  }
0xa6: {  	[spmem:s1] =	stream.indirect.scatter.add.f32 [tilespmem:s31], [sflag:$0x6], $0x40, s21, s0, $0xb8;
	[tilespmem:$0x1E640] =	vst v63  }
0xa7: {  	_ =	swait.ge [sflag:s11], $0x2000  }
0xa8: {  	[sflag:s11] =	ssyncset.done $0x0  }
0xa9: {  	s26 =	sadd.s32 $0x580, s25;
	[sflag:s11] =	ssyncadd.s32 $0xFFFFE000  }
0xaa: {  	[spmem:s1] =	stream.indirect.scatter.add.f32 [tilespmem:s30], [sflag:$0x7], $0x40, s26, s0, $0xb8;
	[tilespmem:$0x1E640] =	vst v63  }
0xab: {  	_ =	swait.ge [sflag:s12], $0x280  }
0xac: {  	[sflag:s12] =	ssyncset.done $0x0  }
0xad: {  	[sflag:s12] =	ssyncadd.s32 $0xFFFFFD80  }
0xae: {  	_ =	swait.ge [sflag:s12], $0x280  }
0xaf: {  	[sflag:s12] =	ssyncset.done $0x0  }
0xb0: {  	[sflag:s12] =	ssyncadd.s32 $0xFFFFFD80  }
0xb1: {  	_ =	swait.ge [sflag:s13], $0x2000  }
0xb2: {  	[sflag:s13] =	ssyncset.done $0x0  }
0xb3: {  	[sflag:s13] =	ssyncadd.s32 $0xFFFFE000  }
0xb4: {  	[tilespmem:s31], [sflag:$0x1] =	stream.indirect.gather [spmem:s2], $0x40, s22, s0, $0xb8;
	[tilespmem:$0x1E640] =	vst v63  }
0xb5: {  	_ =	swait.ge [sflag:s14], $0x2000  }
0xb6: {  	[sflag:s14] =	ssyncset.done $0x0  }
0xb7: {  	s28 =	sadd.s32 $0x80, s24;
	[sflag:s14] =	ssyncadd.s32 $0xFFFFE000  }
0xb8: {  	[tilespmem:s30], [sflag:$0x2] =	stream.indirect.gather [spmem:s2], $0x40, s28, s0, $0xb8;
	[tilespmem:$0x1E640] =	vst v63  }
0xb9: {  	_ =	swait.ge [sflag:s15], $0x2000  }
0xba: {  	[sflag:s15] =	ssyncset.done $0x0  }
0xbb: {  	s21 =	sadd.s32 $0x600, s25;
	[sflag:s15] =	ssyncadd.s32 $0xFFFFE000  }
0xbc: {  	[spmem:s1] =	stream.indirect.scatter.add.f32 [tilespmem:s4], [sflag:$0x8], $0x40, s21, s0, $0xb8;
	[tilespmem:$0x1E640] =	vst v63  }
0xbd: {  	_ =	swait.ge [sflag:s16], $0x2000  }
0xbe: {  	[sflag:s16] =	ssyncset.done $0x0  }
0xbf: {  	s22 =	sadd.s32 $0x680, s25;
	[sflag:s16] =	ssyncadd.s32 $0xFFFFE000  }
0xc0: {  	[spmem:s1] =	stream.indirect.scatter.add.f32 [tilespmem:s7], [sflag:$0x9], $0x40, s22, s0, $0xb8;
	[tilespmem:$0x1E640] =	vst v63  }
0xc1: {  	_ =	swait.ge [sflag:s17], $0x2000  }
0xc2: {  	[sflag:s17] =	ssyncset.done $0x0  }
0xc3: {  	s26 =	sadd.s32 $0x700, s25;
	[sflag:s17] =	ssyncadd.s32 $0xFFFFE000  }
0xc4: {  	[spmem:s1] =	stream.indirect.scatter.add.f32 [tilespmem:s8], [sflag:$0xA], $0x40, s26, s0, $0xb8;
	[tilespmem:$0x1E640] =	vst v63  }
.Ltmp0:
0xc5: {  	_ =	swait.ge [sflag:s18], $0x2000;
	(pc) =	sbr.rel @p0 .LBB2_2-.Ltmp0, $4  }
0xc6: {  	[sflag:s18] =	ssyncset.done $0x0  }
0xc7: {  	s28 =	sadd.s32 $0x100, s24;
	[sflag:s18] =	ssyncadd.s32 $0xFFFFE000  }
0xc8: {  	[tilespmem:s4], [sflag:$0x3] =	stream.indirect.gather [spmem:s2], $0x40, s28, s0, $0xb8;
	[tilespmem:$0x1E640] =	vst v63  }
0xc9: {  	_ =	swait.ge [sflag:s19], $0x2000  }
0xca: {  	[sflag:s19] =	ssyncset.done $0x0  }
0xcb: {  	s9 =	sadd.s32 $0x180, s24;
	[sflag:s19] =	ssyncadd.s32 $0xFFFFE000  }
0xcc: {  	[tilespmem:s7], [sflag:$0x4] =	stream.indirect.gather [spmem:s2], $0x40, s9, s0, $0xb8;
	[tilespmem:$0x1E640] =	vst v63  }
0xcd: {  	_ =	swait.ge [sflag:s20], $0x2000  }
0xce: {  	[sflag:s20] =	ssyncset.done $0x0  }
0xcf: {  	s24 =	sadd.s32 $0x200, s24;
	[sflag:s20] =	ssyncadd.s32 $0xFFFFE000  }
0xd0: {  	[tilespmem:s8], [sflag:$0x5] =	stream.indirect.gather [spmem:s2], $0x40, s24, s0, $0xb8;
	[tilespmem:$0x1E640] =	vst v63  }
0xd1: {  	_ =	swait.ge [sflag:s10], $0x2000  }
0xd2: {  	[sflag:s10] =	ssyncset.done $0x0  }
0xd3: {  	[sflag:s10] =	ssyncadd.s32 $0xFFFFE000  }
0xd4: {  	_ =	swait.ge [sflag:s11], $0x2000  }
0xd5: {  	[sflag:s11] =	ssyncset.done $0x0  }
0xd6: {  	[sflag:s11] =	ssyncadd.s32 $0xFFFFE000  }
0xd7: {  	_ =	swait.ge [sflag:s15], $0x2000  }
0xd8: {  	[sflag:s15] =	ssyncset.done $0x0  }
0xd9: {  	[sflag:s15] =	ssyncadd.s32 $0xFFFFE000  }
0xda: {  	_ =	swait.ge [sflag:s16], $0x2000  }
0xdb: {  	[sflag:s16] =	ssyncset.done $0x0  }
0xdc: {  	[sflag:s16] =	ssyncadd.s32 $0xFFFFE000  }
0xdd: {  	_ =	swait.ge [sflag:s17], $0x2000  }
0xde: {  	[sflag:s17] =	ssyncset.done $0x0  }
0xdf: {  	[sflag:s17] =	ssyncadd.s32 $0xFFFFE000  }
0xe0: {  	[bflag:$0x0] =	sbarrier.arrive $0xFFFF  }
0xe1: {  	s25 =	rddreg [dreg:$0xc]  }
0xe2: {  	s21 =	rddreg [dreg:$0x18]  }
0xe3: {  	s22 =	simm.s32 $0x10;
	s23 =	rddreg [dreg:$0x1c]  }
0xe4: {  	[hbm:s25@s22], [sflag:s23] =	dma.strided [spmem:s21@s18], $0x1388, s10, $0x8   }
0xe5: {  	_ =	swait.ge [sflag:s29], $0x1388  }
0xe6: {  	s26 =	rddreg [dreg:$0x1b]  }
0xe7: {  	s28 =	rddreg [dreg:$0x12];
	s21 =	sadd.s32 $0x1, s26  }
0xe8: {  	p0 =	sne.s32 s21, s28  }
.Ltmp1:
0xe9: {  	_ = 	snop;
	(pc) =	sbr.rel @p0 .LBB2_1-.Ltmp1, $3  }
0xea: {  	_ =	sdelay $0x1  }
0xeb: {  	[sflag:s29] =	ssyncset.done $0x0  }
0xec: {  	[sflag:s29] =	ssyncadd.s32 $0xFFFFEC78  }
0xed: {  	_ =	sfence.sel $0x180000  }
0xee: {  	[bflag:$0x0] =	sbarrier.arrive $0xFFFF  }
0xef: {  	_ =	strace $0x90000047  }
0xf0: {  	s0 =	stileid.u32;
	[bflag:$0x2] =	sbarrier.arrive $0xFFFF  }
0xf1: {  	p0 =	sne.s32 s0, $0x0;
	s0 =	rddreg [dreg:$0x4]  }
0xf2: {  	s0 =	sadd.s32 @!p0 $0x100000, s0  }
0xf3: {  	[sflag:s0] =	ssyncadd.tile.s32 @!p0 $0x1;
	_ =	shalt  }
.Lfunc_end2:
_tile_overlayer_lowered:
.L_overlay_start_2:
0xf4: {  	(tag) =	ssettag $0x2  }
0xf5: {  	s0 =	rddreg [dreg:$0x0];
	s2 =	stileid.u32  }
0xf6: {  	s1 =	rddreg [dreg:$0x1];
	p0 =	sne.s32 s2, $0x0  }
0xf7: {  	s3 =	rddreg [dreg:$0x2];
	[bflag:$0x3] =	sbarrier.arrive $0xFFFF;
	s2 =	simm.s32 @!p0 $0x1C0C  }
0xf8: {  	[timem:s3], [sflag:s2] =	dma.local @!p0 [hbm:s0], s1  }
0xf9: {  	s0 =	simm.s32 @!p0 $0xC  }
0xfa: {  	_ =	swait.ge @!p0 [sflag:s0], s1  }
0xfb: {  	s1 =	ssub.s32 @!p0 $0x0, s1;
	[sflag:s0] =	ssyncset.done @!p0 $0x0  }
0xfc: {  	[sflag:s0] =	ssyncadd.s32 @!p0 s1  }
0xfd: {  	[bflag:$0x3] =	sbarrier.arrive $0xFFFF  }
0xfe: {  	_ =	shalt  }

</sc_bundles>
